<compile_context>
chip_gen: v7x
topology: tpu7x:2x2x1
jax: 0.10.2.dev20260603
libtpu: 0.0.44.dev20260713+nightly
codegen_flags: <defaults>
</compile_context>

<pallas_src>
import functools

import jax
import jax.numpy as jnp
from jax import lax
from jax.experimental import pallas as pl
from jax.experimental.pallas import tpu as pltpu
from jax.experimental.pallas import tpu_sc as plsc

N = 10000
E = 320000
D = 128

NC = 2
NS = 16
NW = NC * NS
EPW = E // NW
CH = 80
NCH = EPW // CH
NP = 10240
NPT = NP // NS

_mesh = plsc.VectorSubcoreMesh(core_axis_name="c", subcore_axis_name="s")


@functools.partial(
    pl.kernel,
    out_type=jax.ShapeDtypeStruct((NC, NP), jnp.float32),
    mesh=_mesh,
    scratch_types=[
        pltpu.VMEM((NCH, CH), jnp.int32),
        pltpu.VMEM((CH,), jnp.float32),
        pltpu.VMEM_SHARED((NP,), jnp.float32),
    ],
)
def _degree_kernel(col_hbm, zeros_hbm, ones_hbm, out_hbm, col_v, ones_v, deg_sh):
    c = lax.axis_index("c")
    s = lax.axis_index("s")
    wid = c * NS + s
    pltpu.sync_copy(col_hbm.at[wid], col_v)
    pltpu.sync_copy(ones_hbm, ones_v)
    pltpu.sync_copy(zeros_hbm.at[pl.ds(s * NPT, NPT)], deg_sh.at[pl.ds(s * NPT, NPT)])
    plsc.subcore_barrier()

    def body(j, carry):
        pltpu.sync_copy(ones_v, deg_sh.at[col_v.at[j]], add=True)
        return carry

    lax.fori_loop(0, NCH, body, 0)
    plsc.subcore_barrier()
    pltpu.sync_copy(deg_sh.at[pl.ds(s * NPT, NPT)], out_hbm.at[c, pl.ds(s * NPT, NPT)])


@functools.partial(
    pl.kernel,
    out_type=jax.ShapeDtypeStruct((NC, NP, D), jnp.float32),
    mesh=_mesh,
    scratch_types=[
        pltpu.VMEM((EPW,), jnp.int32),
        pltpu.VMEM((3, CH), jnp.int32),
        pltpu.VMEM((3, CH, D), jnp.float32),
        pltpu.VMEM_SHARED((NP, D), jnp.float32),
        pltpu.SemaphoreType.DMA((3,)),
        pltpu.SemaphoreType.DMA((3,)),
    ],
)
def _agg_kernel(row_hbm, col_hbm, hs_hbm, zeros_hbm, out_hbm,
                row_v, col_v, vals_v, s_sh, sem, csem):
    c = lax.axis_index("c")
    s = lax.axis_index("s")
    wid = c * NS + s
    pltpu.sync_copy(row_hbm.at[wid], row_v)
    pltpu.sync_copy(zeros_hbm.at[pl.ds(s * NPT, NPT)], s_sh.at[pl.ds(s * NPT, NPT)])
    plsc.subcore_barrier()

    def body(i, carry):
        j = i - 2

        @pl.when(i < NCH)
        def _():
            p = lax.rem(i, 3)
            pltpu.async_copy(col_hbm.at[wid, i], col_v.at[p], csem.at[p])
            pltpu.async_copy(hs_hbm.at[row_v.at[pl.ds(i * CH, CH)]],
                             vals_v.at[p], sem.at[p])

        @pl.when(j >= 0)
        def _():
            q = lax.rem(j, 3)
            pltpu.make_async_copy(
                col_hbm.at[wid, 0], col_v.at[q], csem.at[q]).wait()
            pltpu.make_async_copy(
                hs_hbm.at[pl.ds(0, CH)], vals_v.at[q], sem.at[q]).wait()
            pltpu.sync_copy(vals_v.at[q], s_sh.at[col_v.at[q]], add=True)

        return carry

    lax.fori_loop(0, NCH + 2, body, 0)
    plsc.subcore_barrier()
    pltpu.sync_copy(s_sh.at[pl.ds(s * NPT, NPT)], out_hbm.at[c, pl.ds(s * NPT, NPT)])


_RB = 2000


def _prep_body(pdeg_ref, x_ref, dis_ref, hs_ref):
    deg = pdeg_ref[:, 0:1] + pdeg_ref[:, 1:2] + 1.0
    dis = lax.rsqrt(deg)
    dis_ref[...] = dis
    hs_ref[...] = dis * x_ref[...]


_prep = pl.pallas_call(
    _prep_body,
    grid=(N // _RB,),
    in_specs=[
        pl.BlockSpec((_RB, 2), lambda i: (i, 0)),
        pl.BlockSpec((_RB, D), lambda i: (i, 0)),
    ],
    out_specs=[
        pl.BlockSpec((_RB, 1), lambda i: (i, 0)),
        pl.BlockSpec((_RB, D), lambda i: (i, 0)),
    ],
    out_shape=[
        jax.ShapeDtypeStruct((N, 1), jnp.float32),
        jax.ShapeDtypeStruct((N, D), jnp.float32),
    ],
)


def _layer_body(p0_ref, p1_ref, hs_ref, dis_ref, w_ref, b_ref, out_ref, *, act):
    dis = dis_ref[...]
    agg = dis * (p0_ref[0] + p1_ref[0] + hs_ref[...])
    h = lax.dot_general(agg, w_ref[...], (((1,), (0,)), ((), ())),
                        precision=lax.Precision.HIGHEST,
                        preferred_element_type=jnp.float32) + b_ref[...]
    if act:
        out_ref[...] = dis * jnp.maximum(h, 0.0)
    else:
        out_ref[...] = h


def _make_layer(act):
    return pl.pallas_call(
        functools.partial(_layer_body, act=act),
        grid=(N // _RB,),
        in_specs=[
            pl.BlockSpec((1, _RB, D), lambda i: (0, i, 0)),
            pl.BlockSpec((1, _RB, D), lambda i: (1, i, 0)),
            pl.BlockSpec((_RB, D), lambda i: (i, 0)),
            pl.BlockSpec((_RB, 1), lambda i: (i, 0)),
            pl.BlockSpec((D, D), lambda i: (0, 0)),
            pl.BlockSpec((1, D), lambda i: (0, 0)),
        ],
        out_specs=pl.BlockSpec((_RB, D), lambda i: (i, 0)),
        out_shape=jax.ShapeDtypeStruct((N, D), jnp.float32),
    )


_layer_mid = _make_layer(True)
_layer_final = _make_layer(False)


def kernel(x, edge_index, W0, b0, W1, b1):
    row = edge_index[0].astype(jnp.int32).reshape(NW, EPW)
    col = edge_index[1].astype(jnp.int32).reshape(NW, NCH, CH)
    zeros_nd = jnp.zeros((NP, D), jnp.float32)
    zeros_n = jnp.zeros((NP,), jnp.float32)
    ones_c = jnp.ones((CH,), jnp.float32)
    b0r = b0.reshape(1, D)
    b1r = b1.reshape(1, D)

    pdeg = _degree_kernel(col, zeros_n, ones_c)
    pdeg_t = pdeg[:, :N].T

    dis, hs0 = _prep(pdeg_t, x)
    p0 = _agg_kernel(row, col, hs0, zeros_nd)
    hs1 = _layer_mid(p0, p0, hs0, dis, W0, b0r)
    p1 = _agg_kernel(row, col, hs1, zeros_nd)
    out = _layer_final(p1, p1, hs1, dis, W1, b1r)
    return out

# --- scband reference (transcript-rebuilt; emitter-appended) ---
"""Pipeline reference for scband-prompt-gnnencoder-13365938225377 (READ-ONLY COPY).

The authoritative reference and input builder live on the scoring server;
editing this copy changes nothing except your own understanding.
"""

import jax, jax.numpy as jnp
import numpy as np

N_NODES = 10000
N_EDGES = 320000
IN_DIM = 128
HIDDEN_DIM = 128
OUT_DIM = 128


def setup_inputs(seed: int = 0) -> dict:
    key = jax.random.key(seed)
    k1, k2, k3, k4 = jax.random.split(key, 4)
    x = jax.random.normal(k1, (N_NODES, IN_DIM), dtype=jnp.float32)
    edge_index = jax.random.randint(k2, (2, N_EDGES), 0, N_NODES, dtype=jnp.int64)
    # Layer 0 linear (no bias inside lin; conv bias separate, init zeros like torch)
    lim0 = 1.0 / np.sqrt(IN_DIM)
    W0 = jax.random.uniform(k3, (IN_DIM, HIDDEN_DIM), dtype=jnp.float32, minval=-lim0, maxval=lim0)
    b0 = jnp.zeros((HIDDEN_DIM,), dtype=jnp.float32)
    lim1 = 1.0 / np.sqrt(HIDDEN_DIM)
    W1 = jax.random.uniform(k4, (HIDDEN_DIM, OUT_DIM), dtype=jnp.float32, minval=-lim1, maxval=lim1)
    b1 = jnp.zeros((OUT_DIM,), dtype=jnp.float32)
    return {"x": x, "edge_index": edge_index, "W0": W0, "b0": b0, "W1": W1, "b1": b1}


def _gcn_conv(x, edge_index, W, b):
    n = x.shape[0]
    loops = jnp.arange(n, dtype=edge_index.dtype)
    row = jnp.concatenate([edge_index[0], loops])
    col = jnp.concatenate([edge_index[1], loops])
    deg = jnp.zeros((n,), dtype=x.dtype).at[col].add(jnp.ones_like(col, dtype=x.dtype))
    deg_inv_sqrt = jnp.where(deg > 0, deg ** -0.5, 0.0)
    norm = deg_inv_sqrt[row] * deg_inv_sqrt[col]
    x_j = x[row]                      # gather over edges
    msg = x_j @ W                     # per-edge linear (lin has no bias)
    msg = norm[:, None] * msg
    out = jnp.zeros((n, W.shape[1]), dtype=msg.dtype).at[col].add(msg)  # scatter-add
    return out + b


def reference(x, edge_index, W0, b0, W1, b1):
    h = _gcn_conv(x, edge_index, W0, b0)
    h = jax.nn.relu(h)   # act between layers; dropout=0.0 -> identity
    h = _gcn_conv(h, edge_index, W1, b1)
    node_repr = h
    return node_repr  # batch is None -> graph_repr is None

if __name__ == "__main__":
    import jax
    _d = setup_inputs()
    print(jax.jit(kernel)(*tuple(_d.values())))

</pallas_src>

<mosaic_0001>
#map = affine_map<(d0, d1) -> (0, 0)>
#map1 = affine_map<(d0, d1) -> (0, 0, 0)>
module attributes {stable_mosaic.version = 14 : i64} {
  func.func @_agg_kernel(%arg0: i32, %arg1: i32, %arg2: memref<32x10000xi32, #tpu.memory_space<hbm>>, %arg3: memref<32x125x80xi32, #tpu.memory_space<hbm>>, %arg4: memref<10000x128xf32, #tpu.memory_space<hbm>>, %arg5: memref<10240x128xf32, #tpu.memory_space<hbm>>, %arg6: memref<2x10240x128xf32, #tpu.memory_space<hbm>>, %arg7: memref<10000xi32, #tpu.memory_space<vmem>>, %arg8: memref<3x80xi32, #tpu.memory_space<vmem>>, %arg9: memref<3x80x128xf32, #tpu.memory_space<vmem>>, %arg10: memref<10240x128xf32, #tpu.memory_space<vmem_shared>>, %arg11: memref<3x!tpu.dma_semaphore, #tpu.memory_space<semaphore_mem>>, %arg12: memref<3x!tpu.dma_semaphore, #tpu.memory_space<semaphore_mem>>) attributes {dimension_semantics = [#tpu.dimension_semantics<core_parallel>, #tpu.dimension_semantics<subcore_parallel>], iteration_bounds = array<i64: 2, 16>, scalar_prefetch = 0 : i64, scratch_operands = 6 : i64, tpu.core_type = #tpu.core_type<sc_vector_subcore>, window_params = [{transform_indices = #map}, {transform_indices = #map1}, {transform_indices = #map}, {transform_indices = #map}, {transform_indices = #map1}]} {
    %mul3A = arith.constant 16 : i32
    %mul3A_0 = arith.muli %arg0, %mul3A : i32
    %add3A = arith.addi %mul3A_0, %arg1 : i32
    "tpu.region"() ({
      %run_scoped3A = tpu.sem_alloc : memref<!tpu.dma_semaphore, #tpu.memory_space<semaphore_mem>>
      %dma_start3A = arith.constant 0 : i32
      %dma_start3A_15 = tpu.memref_slice %arg2[%add3A, %dma_start3A] : memref<32x10000xi32, #tpu.memory_space<hbm>> -> memref<1x10000xi32, #tpu.memory_space<hbm>>
      %dma_start3A_16 = tpu.memref_squeeze %dma_start3A_15 : memref<1x10000xi32, #tpu.memory_space<hbm>> -> memref<10000xi32, #tpu.memory_space<hbm>>
      %dma_start3A_17 = arith.constant 0 : i32
      %dma_start3A_18 = tpu.memref_slice %arg2[%add3A, %dma_start3A_17] : memref<32x10000xi32, #tpu.memory_space<hbm>> -> memref<1x10000xi32, #tpu.memory_space<hbm>>
      %dma_start3A_19 = tpu.memref_squeeze %dma_start3A_18 : memref<1x10000xi32, #tpu.memory_space<hbm>> -> memref<10000xi32, #tpu.memory_space<hbm>>
      tpu.enqueue_dma source(%dma_start3A_19 : memref<10000xi32, #tpu.memory_space<hbm>>) target(%arg7 : memref<10000xi32, #tpu.memory_space<vmem>>) target_semaphore(%run_scoped3A : memref<!tpu.dma_semaphore, #tpu.memory_space<semaphore_mem>>)
      %dma_wait3A = arith.constant 0 : i32
      %dma_wait3A_20 = tpu.memref_slice %arg2[%add3A, %dma_wait3A] : memref<32x10000xi32, #tpu.memory_space<hbm>> -> memref<1x10000xi32, #tpu.memory_space<hbm>>
      %dma_wait3A_21 = tpu.memref_squeeze %dma_wait3A_20 : memref<1x10000xi32, #tpu.memory_space<hbm>> -> memref<10000xi32, #tpu.memory_space<hbm>>
      %dma_wait3A_22 = arith.constant 0 : i32
      %dma_wait3A_23 = tpu.memref_slice %arg2[%add3A, %dma_wait3A_22] : memref<32x10000xi32, #tpu.memory_space<hbm>> -> memref<1x10000xi32, #tpu.memory_space<hbm>>
      %dma_wait3A_24 = tpu.memref_squeeze %dma_wait3A_23 : memref<1x10000xi32, #tpu.memory_space<hbm>> -> memref<10000xi32, #tpu.memory_space<hbm>>
      tpu.wait_dma2 semaphore(%run_scoped3A : memref<!tpu.dma_semaphore, #tpu.memory_space<semaphore_mem>>) src(%dma_wait3A_24 : memref<10000xi32, #tpu.memory_space<hbm>>) dst(%arg7 : memref<10000xi32, #tpu.memory_space<vmem>>)
      tpu.yield
    }) : () -> ()
    %mul3A_1 = arith.constant 640 : i32
    %mul3A_2 = arith.muli %arg1, %mul3A_1 : i32
    %mul3A_3 = arith.constant 640 : i32
    %mul3A_4 = arith.muli %arg1, %mul3A_3 : i32
    "tpu.region"() ({
      %run_scoped3A = tpu.sem_alloc : memref<!tpu.dma_semaphore, #tpu.memory_space<semaphore_mem>>
      %dma_start3A = arith.constant 0 : i32
      %dma_start3A_15 = tpu.memref_slice %arg10[%mul3A_4, %dma_start3A] : memref<10240x128xf32, #tpu.memory_space<vmem_shared>> -> memref<640x128xf32, #tpu.memory_space<vmem_shared>>
      %dma_start3A_16 = arith.constant 0 : i32
      %dma_start3A_17 = tpu.memref_slice %arg5[%mul3A_2, %dma_start3A_16] : memref<10240x128xf32, #tpu.memory_space<hbm>> -> memref<640x128xf32, #tpu.memory_space<hbm>>
      tpu.enqueue_dma source(%dma_start3A_17 : memref<640x128xf32, #tpu.memory_space<hbm>>) target(%dma_start3A_15 : memref<640x128xf32, #tpu.memory_space<vmem_shared>>) target_semaphore(%run_scoped3A : memref<!tpu.dma_semaphore, #tpu.memory_space<semaphore_mem>>)
      %dma_wait3A = arith.constant 0 : i32
      %dma_wait3A_18 = tpu.memref_slice %arg10[%mul3A_4, %dma_wait3A] : memref<10240x128xf32, #tpu.memory_space<vmem_shared>> -> memref<640x128xf32, #tpu.memory_space<vmem_shared>>
      %dma_wait3A_19 = arith.constant 0 : i32
      %dma_wait3A_20 = tpu.memref_slice %arg5[%mul3A_2, %dma_wait3A_19] : memref<10240x128xf32, #tpu.memory_space<hbm>> -> memref<640x128xf32, #tpu.memory_space<hbm>>
      tpu.wait_dma2 semaphore(%run_scoped3A : memref<!tpu.dma_semaphore, #tpu.memory_space<semaphore_mem>>) src(%dma_wait3A_20 : memref<640x128xf32, #tpu.memory_space<hbm>>) dst(%dma_wait3A_18 : memref<640x128xf32, #tpu.memory_space<vmem_shared>>)
      tpu.yield
    }) : () -> ()
    %barrier3A = arith.constant 0 : index
    tpu.barrier barrier_id(%barrier3A)
    %scan3A = arith.constant 0 : i32
    %scan3A_5 = arith.constant 0 : i32
    %scan3A_6 = arith.constant 127 : i32
    %scan3A_7 = arith.addi %scan3A_5, %scan3A_6 : i32
    %scan3A_8 = arith.constant 1 : i32
    scf.for %scan3A_15 = %scan3A_5 to %scan3A_7 step %scan3A_8  : i32 {
      %sub3A = arith.constant 2 : i32
      %sub3A_16 = arith.subi %scan3A_15, %sub3A : i32
      %lt3A = arith.constant 125 : i32
      %lt3A_17 = arith.cmpi slt, %scan3A_15, %lt3A : i32
      %convert_element_type3A = arith.extui %lt3A_17 : i1 to i32
      %cond3A = arith.constant 0 : i32
      %cond3A_18 = arith.cmpi ne, %convert_element_type3A, %cond3A : i32
      scf.if %cond3A_18 {
        %rem3A = arith.constant 3 : i32
        %rem3A_23 = arith.remsi %scan3A_15, %rem3A : i32
        %dma_start3A = arith.constant 0 : i32
        %dma_start3A_24 = tpu.memref_slice %arg8[%rem3A_23, %dma_start3A] : memref<3x80xi32, #tpu.memory_space<vmem>> -> memref<1x80xi32, #tpu.memory_space<vmem>>
        %dma_start3A_25 = tpu.memref_squeeze %dma_start3A_24 : memref<1x80xi32, #tpu.memory_space<vmem>> -> memref<80xi32, #tpu.memory_space<vmem>>
        %dma_start3A_26 = arith.constant 0 : i32
        %dma_start3A_27 = tpu.memref_slice %arg3[%add3A, %scan3A_15, %dma_start3A_26] : memref<32x125x80xi32, #tpu.memory_space<hbm>> -> memref<1x1x80xi32, #tpu.memory_space<hbm>>
        %dma_start3A_28 = tpu.memref_squeeze %dma_start3A_27 : memref<1x1x80xi32, #tpu.memory_space<hbm>> -> memref<80xi32, #tpu.memory_space<hbm>>
        %dma_start3A_29 = tpu.memref_slice %arg12[%rem3A_23] : memref<3x!tpu.dma_semaphore, #tpu.memory_space<semaphore_mem>> -> memref<1x!tpu.dma_semaphore, #tpu.memory_space<semaphore_mem>>
        %dma_start3A_30 = tpu.memref_squeeze %dma_start3A_29 : memref<1x!tpu.dma_semaphore, #tpu.memory_space<semaphore_mem>> -> memref<!tpu.dma_semaphore, #tpu.memory_space<semaphore_mem>>
        %dma_start3A_31 = arith.constant 0 : i32
        %dma_start3A_32 = tpu.memref_slice %arg8[%rem3A_23, %dma_start3A_31] : memref<3x80xi32, #tpu.memory_space<vmem>> -> memref<1x80xi32, #tpu.memory_space<vmem>>
        %dma_start3A_33 = tpu.memref_squeeze %dma_start3A_32 : memref<1x80xi32, #tpu.memory_space<vmem>> -> memref<80xi32, #tpu.memory_space<vmem>>
        %dma_start3A_34 = arith.constant 0 : i32
        %dma_start3A_35 = tpu.memref_slice %arg3[%add3A, %scan3A_15, %dma_start3A_34] : memref<32x125x80xi32, #tpu.memory_space<hbm>> -> memref<1x1x80xi32, #tpu.memory_space<hbm>>
        %dma_start3A_36 = tpu.memref_squeeze %dma_start3A_35 : memref<1x1x80xi32, #tpu.memory_space<hbm>> -> memref<80xi32, #tpu.memory_space<hbm>>
        tpu.enqueue_dma source(%dma_start3A_36 : memref<80xi32, #tpu.memory_space<hbm>>) target(%dma_start3A_33 : memref<80xi32, #tpu.memory_space<vmem>>) target_semaphore(%dma_start3A_30 : memref<!tpu.dma_semaphore, #tpu.memory_space<semaphore_mem>>)
        %mul3A_37 = arith.constant 80 : i32
        %mul3A_38 = arith.muli %scan3A_15, %mul3A_37 : i32
        %dma_start3A_39 = arith.constant 0 : i32
        %dma_start3A_40 = arith.constant 0 : i32
        %dma_start3A_41 = tpu.memref_slice %arg9[%rem3A_23, %dma_start3A_39, %dma_start3A_40] : memref<3x80x128xf32, #tpu.memory_space<vmem>> -> memref<1x80x128xf32, #tpu.memory_space<vmem>>
        %dma_start3A_42 = tpu.memref_squeeze %dma_start3A_41 : memref<1x80x128xf32, #tpu.memory_space<vmem>> -> memref<80x128xf32, #tpu.memory_space<vmem>>
        %dma_start3A_43 = tpu.memref_slice %arg7[%mul3A_38] : memref<10000xi32, #tpu.memory_space<vmem>> -> memref<80xi32, #tpu.memory_space<vmem>>
        %dma_start3A_44 = arith.constant 0 : i32
        %dma_start3A_45 = arith.constant 0 : i32
        %dma_start3A_46 = tpu.memref_slice %arg4[%dma_start3A_44, %dma_start3A_45] : memref<10000x128xf32, #tpu.memory_space<hbm>> -> memref<10000x128xf32, #tpu.memory_space<hbm>>
        %dma_start3A_47 = tpu.memref_slice %arg11[%rem3A_23] : memref<3x!tpu.dma_semaphore, #tpu.memory_space<semaphore_mem>> -> memref<1x!tpu.dma_semaphore, #tpu.memory_space<semaphore_mem>>
        %dma_start3A_48 = tpu.memref_squeeze %dma_start3A_47 : memref<1x!tpu.dma_semaphore, #tpu.memory_space<semaphore_mem>> -> memref<!tpu.dma_semaphore, #tpu.memory_space<semaphore_mem>>
        tpu.enqueue_indirect_dma source(%dma_start3A_46 : memref<10000x128xf32, #tpu.memory_space<hbm>>) target(%dma_start3A_42 : memref<80x128xf32, #tpu.memory_space<vmem>>) offsets(%dma_start3A_43 : memref<80xi32, #tpu.memory_space<vmem>>) semaphore(%dma_start3A_48 : memref<!tpu.dma_semaphore, #tpu.memory_space<semaphore_mem>>)
      } else {
      }
      %ge3A = arith.constant 0 : i32
      %ge3A_19 = arith.cmpi sge, %sub3A_16, %ge3A : i32
      %convert_element_type3A_20 = arith.extui %ge3A_19 : i1 to i32
      %cond3A_21 = arith.constant 0 : i32
      %cond3A_22 = arith.cmpi ne, %convert_element_type3A_20, %cond3A_21 : i32
      scf.if %cond3A_22 {
        %rem3A = arith.constant 3 : i32
        %rem3A_23 = arith.remsi %sub3A_16, %rem3A : i32
        %dma_wait3A = arith.constant 0 : i32
        %dma_wait3A_24 = arith.constant 0 : i32
        %dma_wait3A_25 = tpu.memref_slice %arg8[%rem3A_23, %dma_wait3A_24] : memref<3x80xi32, #tpu.memory_space<vmem>> -> memref<1x80xi32, #tpu.memory_space<vmem>>
        %dma_wait3A_26 = tpu.memref_squeeze %dma_wait3A_25 : memref<1x80xi32, #tpu.memory_space<vmem>> -> memref<80xi32, #tpu.memory_space<vmem>>
        %dma_wait3A_27 = arith.constant 0 : i32
        %dma_wait3A_28 = tpu.memref_slice %arg3[%add3A, %dma_wait3A, %dma_wait3A_27] : memref<32x125x80xi32, #tpu.memory_space<hbm>> -> memref<1x1x80xi32, #tpu.memory_space<hbm>>
        %dma_wait3A_29 = tpu.memref_squeeze %dma_wait3A_28 : memref<1x1x80xi32, #tpu.memory_space<hbm>> -> memref<80xi32, #tpu.memory_space<hbm>>
        %dma_wait3A_30 = tpu.memref_slice %arg12[%rem3A_23] : memref<3x!tpu.dma_semaphore, #tpu.memory_space<semaphore_mem>> -> memref<1x!tpu.dma_semaphore, #tpu.memory_space<semaphore_mem>>
        %dma_wait3A_31 = tpu.memref_squeeze %dma_wait3A_30 : memref<1x!tpu.dma_semaphore, #tpu.memory_space<semaphore_mem>> -> memref<!tpu.dma_semaphore, #tpu.memory_space<semaphore_mem>>
        %dma_wait3A_32 = arith.constant 0 : i32
        %dma_wait3A_33 = tpu.memref_slice %arg8[%rem3A_23, %dma_wait3A_32] : memref<3x80xi32, #tpu.memory_space<vmem>> -> memref<1x80xi32, #tpu.memory_space<vmem>>
        %dma_wait3A_34 = tpu.memref_squeeze %dma_wait3A_33 : memref<1x80xi32, #tpu.memory_space<vmem>> -> memref<80xi32, #tpu.memory_space<vmem>>
        %dma_wait3A_35 = arith.constant 0 : i32
        %dma_wait3A_36 = tpu.memref_slice %arg3[%add3A, %dma_wait3A, %dma_wait3A_35] : memref<32x125x80xi32, #tpu.memory_space<hbm>> -> memref<1x1x80xi32, #tpu.memory_space<hbm>>
        %dma_wait3A_37 = tpu.memref_squeeze %dma_wait3A_36 : memref<1x1x80xi32, #tpu.memory_space<hbm>> -> memref<80xi32, #tpu.memory_space<hbm>>
        tpu.wait_dma2 semaphore(%dma_wait3A_31 : memref<!tpu.dma_semaphore, #tpu.memory_space<semaphore_mem>>) src(%dma_wait3A_37 : memref<80xi32, #tpu.memory_space<hbm>>) dst(%dma_wait3A_34 : memref<80xi32, #tpu.memory_space<vmem>>)
        %dma_wait3A_38 = arith.constant 0 : i32
        %dma_wait3A_39 = arith.constant 0 : i32
        %dma_wait3A_40 = tpu.memref_slice %arg9[%rem3A_23, %dma_wait3A_38, %dma_wait3A_39] : memref<3x80x128xf32, #tpu.memory_space<vmem>> -> memref<1x80x128xf32, #tpu.memory_space<vmem>>
        %dma_wait3A_41 = tpu.memref_squeeze %dma_wait3A_40 : memref<1x80x128xf32, #tpu.memory_space<vmem>> -> memref<80x128xf32, #tpu.memory_space<vmem>>
        %dma_wait3A_42 = arith.constant 0 : i32
        %dma_wait3A_43 = arith.constant 0 : i32
        %dma_wait3A_44 = tpu.memref_slice %arg4[%dma_wait3A_42, %dma_wait3A_43] : memref<10000x128xf32, #tpu.memory_space<hbm>> -> memref<80x128xf32, #tpu.memory_space<hbm>>
        %dma_wait3A_45 = tpu.memref_slice %arg11[%rem3A_23] : memref<3x!tpu.dma_semaphore, #tpu.memory_space<semaphore_mem>> -> memref<1x!tpu.dma_semaphore, #tpu.memory_space<semaphore_mem>>
        %dma_wait3A_46 = tpu.memref_squeeze %dma_wait3A_45 : memref<1x!tpu.dma_semaphore, #tpu.memory_space<semaphore_mem>> -> memref<!tpu.dma_semaphore, #tpu.memory_space<semaphore_mem>>
        %dma_wait3A_47 = arith.constant 0 : i32
        %dma_wait3A_48 = arith.constant 0 : i32
        %dma_wait3A_49 = tpu.memref_slice %arg9[%rem3A_23, %dma_wait3A_47, %dma_wait3A_48] : memref<3x80x128xf32, #tpu.memory_space<vmem>> -> memref<1x80x128xf32, #tpu.memory_space<vmem>>
        %dma_wait3A_50 = tpu.memref_squeeze %dma_wait3A_49 : memref<1x80x128xf32, #tpu.memory_space<vmem>> -> memref<80x128xf32, #tpu.memory_space<vmem>>
        %dma_wait3A_51 = arith.constant 0 : i32
        %dma_wait3A_52 = arith.constant 0 : i32
        %dma_wait3A_53 = tpu.memref_slice %arg4[%dma_wait3A_51, %dma_wait3A_52] : memref<10000x128xf32, #tpu.memory_space<hbm>> -> memref<80x128xf32, #tpu.memory_space<hbm>>
        tpu.wait_dma2 semaphore(%dma_wait3A_46 : memref<!tpu.dma_semaphore, #tpu.memory_space<semaphore_mem>>) src(%dma_wait3A_53 : memref<80x128xf32, #tpu.memory_space<hbm>>) dst(%dma_wait3A_50 : memref<80x128xf32, #tpu.memory_space<vmem>>)
        "tpu.region"() ({
          %run_scoped3A = tpu.sem_alloc : memref<!tpu.dma_semaphore, #tpu.memory_space<semaphore_mem>>
          %dma_start3A = arith.constant 0 : i32
          %dma_start3A_54 = arith.constant 0 : i32
          %dma_start3A_55 = tpu.memref_slice %arg9[%rem3A_23, %dma_start3A, %dma_start3A_54] : memref<3x80x128xf32, #tpu.memory_space<vmem>> -> memref<1x80x128xf32, #tpu.memory_space<vmem>>
          %dma_start3A_56 = tpu.memref_squeeze %dma_start3A_55 : memref<1x80x128xf32, #tpu.memory_space<vmem>> -> memref<80x128xf32, #tpu.memory_space<vmem>>
          %dma_start3A_57 = arith.constant 0 : i32
          %dma_start3A_58 = tpu.memref_slice %arg8[%rem3A_23, %dma_start3A_57] : memref<3x80xi32, #tpu.memory_space<vmem>> -> memref<1x80xi32, #tpu.memory_space<vmem>>
          %dma_start3A_59 = tpu.memref_squeeze %dma_start3A_58 : memref<1x80xi32, #tpu.memory_space<vmem>> -> memref<80xi32, #tpu.memory_space<vmem>>
          %dma_start3A_60 = arith.constant 0 : i32
          %dma_start3A_61 = arith.constant 0 : i32
          %dma_start3A_62 = tpu.memref_slice %arg10[%dma_start3A_60, %dma_start3A_61] : memref<10240x128xf32, #tpu.memory_space<vmem_shared>> -> memref<10240x128xf32, #tpu.memory_space<vmem_shared>>
          tpu.enqueue_indirect_dma source(%dma_start3A_56 : memref<80x128xf32, #tpu.memory_space<vmem>>) target(%dma_start3A_62 : memref<10240x128xf32, #tpu.memory_space<vmem_shared>>) offsets(%dma_start3A_59 : memref<80xi32, #tpu.memory_space<vmem>>) semaphore(%run_scoped3A : memref<!tpu.dma_semaphore, #tpu.memory_space<semaphore_mem>>) {add = true}
          %dma_wait3A_63 = arith.constant 0 : i32
          %dma_wait3A_64 = arith.constant 0 : i32
          %dma_wait3A_65 = tpu.memref_slice %arg9[%rem3A_23, %dma_wait3A_63, %dma_wait3A_64] : memref<3x80x128xf32, #tpu.memory_space<vmem>> -> memref<1x80x128xf32, #tpu.memory_space<vmem>>
          %dma_wait3A_66 = tpu.memref_squeeze %dma_wait3A_65 : memref<1x80x128xf32, #tpu.memory_space<vmem>> -> memref<80x128xf32, #tpu.memory_space<vmem>>
          %dma_wait3A_67 = arith.constant 0 : i32
          %dma_wait3A_68 = tpu.memref_slice %arg8[%rem3A_23, %dma_wait3A_67] : memref<3x80xi32, #tpu.memory_space<vmem>> -> memref<1x80xi32, #tpu.memory_space<vmem>>
          %dma_wait3A_69 = tpu.memref_squeeze %dma_wait3A_68 : memref<1x80xi32, #tpu.memory_space<vmem>> -> memref<80xi32, #tpu.memory_space<vmem>>
          %dma_wait3A_70 = arith.constant 0 : i32
          %dma_wait3A_71 = arith.constant 0 : i32
          %dma_wait3A_72 = tpu.memref_slice %arg10[%dma_wait3A_70, %dma_wait3A_71] : memref<10240x128xf32, #tpu.memory_space<vmem_shared>> -> memref<10240x128xf32, #tpu.memory_space<vmem_shared>>
          tpu.wait_indirect_dma semaphore(%run_scoped3A : memref<!tpu.dma_semaphore, #tpu.memory_space<semaphore_mem>>) src(%dma_wait3A_66 : memref<80x128xf32, #tpu.memory_space<vmem>>) dst(%dma_wait3A_72 : memref<10240x128xf32, #tpu.memory_space<vmem_shared>>)
          tpu.yield
        }) : () -> ()
      } else {
      }
    }
    %scan3A_9 = arith.constant 127 : i32
    %barrier3A_10 = arith.constant 0 : index
    tpu.barrier barrier_id(%barrier3A_10)
    %mul3A_11 = arith.constant 640 : i32
    %mul3A_12 = arith.muli %arg1, %mul3A_11 : i32
    %mul3A_13 = arith.constant 640 : i32
    %mul3A_14 = arith.muli %arg1, %mul3A_13 : i32
    "tpu.region"() ({
      %run_scoped3A = tpu.sem_alloc : memref<!tpu.dma_semaphore, #tpu.memory_space<semaphore_mem>>
      %dma_start3A = arith.constant 0 : i32
      %dma_start3A_15 = tpu.memref_slice %arg6[%arg0, %mul3A_14, %dma_start3A] : memref<2x10240x128xf32, #tpu.memory_space<hbm>> -> memref<1x640x128xf32, #tpu.memory_space<hbm>>
      %dma_start3A_16 = tpu.memref_squeeze %dma_start3A_15 : memref<1x640x128xf32, #tpu.memory_space<hbm>> -> memref<640x128xf32, #tpu.memory_space<hbm>>
      %dma_start3A_17 = arith.constant 0 : i32
      %dma_start3A_18 = tpu.memref_slice %arg10[%mul3A_12, %dma_start3A_17] : memref<10240x128xf32, #tpu.memory_space<vmem_shared>> -> memref<640x128xf32, #tpu.memory_space<vmem_shared>>
      tpu.enqueue_dma source(%dma_start3A_18 : memref<640x128xf32, #tpu.memory_space<vmem_shared>>) target(%dma_start3A_16 : memref<640x128xf32, #tpu.memory_space<hbm>>) target_semaphore(%run_scoped3A : memref<!tpu.dma_semaphore, #tpu.memory_space<semaphore_mem>>)
      %dma_wait3A = arith.constant 0 : i32
      %dma_wait3A_19 = tpu.memref_slice %arg6[%arg0, %mul3A_14, %dma_wait3A] : memref<2x10240x128xf32, #tpu.memory_space<hbm>> -> memref<1x640x128xf32, #tpu.memory_space<hbm>>
      %dma_wait3A_20 = tpu.memref_squeeze %dma_wait3A_19 : memref<1x640x128xf32, #tpu.memory_space<hbm>> -> memref<640x128xf32, #tpu.memory_space<hbm>>
      %dma_wait3A_21 = arith.constant 0 : i32
      %dma_wait3A_22 = tpu.memref_slice %arg10[%mul3A_12, %dma_wait3A_21] : memref<10240x128xf32, #tpu.memory_space<vmem_shared>> -> memref<640x128xf32, #tpu.memory_space<vmem_shared>>
      tpu.wait_dma2 semaphore(%run_scoped3A : memref<!tpu.dma_semaphore, #tpu.memory_space<semaphore_mem>>) src(%dma_wait3A_22 : memref<640x128xf32, #tpu.memory_space<vmem_shared>>) dst(%dma_wait3A_20 : memref<640x128xf32, #tpu.memory_space<hbm>>)
      tpu.yield
    }) : () -> ()
    return
  }
}

#map = affine_map<(d0, d1) -> (0, 0)>
#map1 = affine_map<(d0, d1) -> (0, 0, 0)>
module attributes {stable_mosaic.version = 14 : i64} {
  func.func @_agg_kernel(%arg0: i32, %arg1: i32, %arg2: memref<32x10000xi32, #tpu.memory_space<hbm>>, %arg3: memref<32x125x80xi32, #tpu.memory_space<hbm>>, %arg4: memref<10000x128xf32, #tpu.memory_space<hbm>>, %arg5: memref<10240x128xf32, #tpu.memory_space<hbm>>, %arg6: memref<2x10240x128xf32, #tpu.memory_space<hbm>>, %arg7: memref<10000xi32, #tpu.memory_space<vmem>>, %arg8: memref<3x80xi32, #tpu.memory_space<vmem>>, %arg9: memref<3x80x128xf32, #tpu.memory_space<vmem>>, %arg10: memref<10240x128xf32, #tpu.memory_space<vmem_shared>>, %arg11: memref<3x!tpu.dma_semaphore, #tpu.memory_space<semaphore_mem>>, %arg12: memref<3x!tpu.dma_semaphore, #tpu.memory_space<semaphore_mem>>) attributes {dimension_semantics = [#tpu.dimension_semantics<core_parallel>, #tpu.dimension_semantics<subcore_parallel>], iteration_bounds = array<i64: 2, 16>, scalar_prefetch = 0 : i64, scratch_operands = 6 : i64, tpu.core_type = #tpu.core_type<sc_vector_subcore>, window_params = [{transform_indices = #map}, {transform_indices = #map1}, {transform_indices = #map}, {transform_indices = #map}, {transform_indices = #map1}]} {
    %mul3A = arith.constant 16 : i32
    %mul3A_0 = arith.muli %arg0, %mul3A : i32
    %add3A = arith.addi %mul3A_0, %arg1 : i32
    "tpu.region"() ({
      %run_scoped3A = tpu.sem_alloc : memref<!tpu.dma_semaphore, #tpu.memory_space<semaphore_mem>>
      %dma_start3A = arith.constant 0 : i32
      %dma_start3A_15 = tpu.memref_slice %arg2[%add3A, %dma_start3A] : memref<32x10000xi32, #tpu.memory_space<hbm>> -> memref<1x10000xi32, #tpu.memory_space<hbm>>
      %dma_start3A_16 = tpu.memref_squeeze %dma_start3A_15 : memref<1x10000xi32, #tpu.memory_space<hbm>> -> memref<10000xi32, #tpu.memory_space<hbm>>
      %dma_start3A_17 = arith.constant 0 : i32
      %dma_start3A_18 = tpu.memref_slice %arg2[%add3A, %dma_start3A_17] : memref<32x10000xi32, #tpu.memory_space<hbm>> -> memref<1x10000xi32, #tpu.memory_space<hbm>>
      %dma_start3A_19 = tpu.memref_squeeze %dma_start3A_18 : memref<1x10000xi32, #tpu.memory_space<hbm>> -> memref<10000xi32, #tpu.memory_space<hbm>>
      tpu.enqueue_dma source(%dma_start3A_19 : memref<10000xi32, #tpu.memory_space<hbm>>) target(%arg7 : memref<10000xi32, #tpu.memory_space<vmem>>) target_semaphore(%run_scoped3A : memref<!tpu.dma_semaphore, #tpu.memory_space<semaphore_mem>>)
      %dma_wait3A = arith.constant 0 : i32
      %dma_wait3A_20 = tpu.memref_slice %arg2[%add3A, %dma_wait3A] : memref<32x10000xi32, #tpu.memory_space<hbm>> -> memref<1x10000xi32, #tpu.memory_space<hbm>>
      %dma_wait3A_21 = tpu.memref_squeeze %dma_wait3A_20 : memref<1x10000xi32, #tpu.memory_space<hbm>> -> memref<10000xi32, #tpu.memory_space<hbm>>
      %dma_wait3A_22 = arith.constant 0 : i32
      %dma_wait3A_23 = tpu.memref_slice %arg2[%add3A, %dma_wait3A_22] : memref<32x10000xi32, #tpu.memory_space<hbm>> -> memref<1x10000xi32, #tpu.memory_space<hbm>>
      %dma_wait3A_24 = tpu.memref_squeeze %dma_wait3A_23 : memref<1x10000xi32, #tpu.memory_space<hbm>> -> memref<10000xi32, #tpu.memory_space<hbm>>
      tpu.wait_dma2 semaphore(%run_scoped3A : memref<!tpu.dma_semaphore, #tpu.memory_space<semaphore_mem>>) src(%dma_wait3A_24 : memref<10000xi32, #tpu.memory_space<hbm>>) dst(%arg7 : memref<10000xi32, #tpu.memory_space<vmem>>)
      tpu.yield
    }) : () -> ()
    %mul3A_1 = arith.constant 640 : i32
    %mul3A_2 = arith.muli %arg1, %mul3A_1 : i32
    %mul3A_3 = arith.constant 640 : i32
    %mul3A_4 = arith.muli %arg1, %mul3A_3 : i32
    "tpu.region"() ({
      %run_scoped3A = tpu.sem_alloc : memref<!tpu.dma_semaphore, #tpu.memory_space<semaphore_mem>>
      %dma_start3A = arith.constant 0 : i32
      %dma_start3A_15 = tpu.memref_slice %arg10[%mul3A_4, %dma_start3A] : memref<10240x128xf32, #tpu.memory_space<vmem_shared>> -> memref<640x128xf32, #tpu.memory_space<vmem_shared>>
      %dma_start3A_16 = arith.constant 0 : i32
      %dma_start3A_17 = tpu.memref_slice %arg5[%mul3A_2, %dma_start3A_16] : memref<10240x128xf32, #tpu.memory_space<hbm>> -> memref<640x128xf32, #tpu.memory_space<hbm>>
      tpu.enqueue_dma source(%dma_start3A_17 : memref<640x128xf32, #tpu.memory_space<hbm>>) target(%dma_start3A_15 : memref<640x128xf32, #tpu.memory_space<vmem_shared>>) target_semaphore(%run_scoped3A : memref<!tpu.dma_semaphore, #tpu.memory_space<semaphore_mem>>)
      %dma_wait3A = arith.constant 0 : i32
      %dma_wait3A_18 = tpu.memref_slice %arg10[%mul3A_4, %dma_wait3A] : memref<10240x128xf32, #tpu.memory_space<vmem_shared>> -> memref<640x128xf32, #tpu.memory_space<vmem_shared>>
      %dma_wait3A_19 = arith.constant 0 : i32
      %dma_wait3A_20 = tpu.memref_slice %arg5[%mul3A_2, %dma_wait3A_19] : memref<10240x128xf32, #tpu.memory_space<hbm>> -> memref<640x128xf32, #tpu.memory_space<hbm>>
      tpu.wait_dma2 semaphore(%run_scoped3A : memref<!tpu.dma_semaphore, #tpu.memory_space<semaphore_mem>>) src(%dma_wait3A_20 : memref<640x128xf32, #tpu.memory_space<hbm>>) dst(%dma_wait3A_18 : memref<640x128xf32, #tpu.memory_space<vmem_shared>>)
      tpu.yield
    }) : () -> ()
    %barrier3A = arith.constant 0 : index
    tpu.barrier barrier_id(%barrier3A)
    %scan3A = arith.constant 0 : i32
    %scan3A_5 = arith.constant 0 : i32
    %scan3A_6 = arith.constant 127 : i32
    %scan3A_7 = arith.addi %scan3A_5, %scan3A_6 : i32
    %scan3A_8 = arith.constant 1 : i32
    scf.for %scan3A_15 = %scan3A_5 to %scan3A_7 step %scan3A_8  : i32 {
      %sub3A = arith.constant 2 : i32
      %sub3A_16 = arith.subi %scan3A_15, %sub3A : i32
      %lt3A = arith.constant 125 : i32
      %lt3A_17 = arith.cmpi slt, %scan3A_15, %lt3A : i32
      %convert_element_type3A = arith.extui %lt3A_17 : i1 to i32
      %cond3A = arith.constant 0 : i32
      %cond3A_18 = arith.cmpi ne, %convert_element_type3A, %cond3A : i32
      scf.if %cond3A_18 {
        %rem3A = arith.constant 3 : i32
        %rem3A_23 = arith.remsi %scan3A_15, %rem3A : i32
        %dma_start3A = arith.constant 0 : i32
        %dma_start3A_24 = tpu.memref_slice %arg8[%rem3A_23, %dma_start3A] : memref<3x80xi32, #tpu.memory_space<vmem>> -> memref<1x80xi32, #tpu.memory_space<vmem>>
        %dma_start3A_25 = tpu.memref_squeeze %dma_start3A_24 : memref<1x80xi32, #tpu.memory_space<vmem>> -> memref<80xi32, #tpu.memory_space<vmem>>
        %dma_start3A_26 = arith.constant 0 : i32
        %dma_start3A_27 = tpu.memref_slice %arg3[%add3A, %scan3A_15, %dma_start3A_26] : memref<32x125x80xi32, #tpu.memory_space<hbm>> -> memref<1x1x80xi32, #tpu.memory_space<hbm>>
        %dma_start3A_28 = tpu.memref_squeeze %dma_start3A_27 : memref<1x1x80xi32, #tpu.memory_space<hbm>> -> memref<80xi32, #tpu.memory_space<hbm>>
        %dma_start3A_29 = tpu.memref_slice %arg12[%rem3A_23] : memref<3x!tpu.dma_semaphore, #tpu.memory_space<semaphore_mem>> -> memref<1x!tpu.dma_semaphore, #tpu.memory_space<semaphore_mem>>
        %dma_start3A_30 = tpu.memref_squeeze %dma_start3A_29 : memref<1x!tpu.dma_semaphore, #tpu.memory_space<semaphore_mem>> -> memref<!tpu.dma_semaphore, #tpu.memory_space<semaphore_mem>>
        %dma_start3A_31 = arith.constant 0 : i32
        %dma_start3A_32 = tpu.memref_slice %arg8[%rem3A_23, %dma_start3A_31] : memref<3x80xi32, #tpu.memory_space<vmem>> -> memref<1x80xi32, #tpu.memory_space<vmem>>
        %dma_start3A_33 = tpu.memref_squeeze %dma_start3A_32 : memref<1x80xi32, #tpu.memory_space<vmem>> -> memref<80xi32, #tpu.memory_space<vmem>>
        %dma_start3A_34 = arith.constant 0 : i32
        %dma_start3A_35 = tpu.memref_slice %arg3[%add3A, %scan3A_15, %dma_start3A_34] : memref<32x125x80xi32, #tpu.memory_space<hbm>> -> memref<1x1x80xi32, #tpu.memory_space<hbm>>
        %dma_start3A_36 = tpu.memref_squeeze %dma_start3A_35 : memref<1x1x80xi32, #tpu.memory_space<hbm>> -> memref<80xi32, #tpu.memory_space<hbm>>
        tpu.enqueue_dma source(%dma_start3A_36 : memref<80xi32, #tpu.memory_space<hbm>>) target(%dma_start3A_33 : memref<80xi32, #tpu.memory_space<vmem>>) target_semaphore(%dma_start3A_30 : memref<!tpu.dma_semaphore, #tpu.memory_space<semaphore_mem>>)
        %mul3A_37 = arith.constant 80 : i32
        %mul3A_38 = arith.muli %scan3A_15, %mul3A_37 : i32
        %dma_start3A_39 = arith.constant 0 : i32
        %dma_start3A_40 = arith.constant 0 : i32
        %dma_start3A_41 = tpu.memref_slice %arg9[%rem3A_23, %dma_start3A_39, %dma_start3A_40] : memref<3x80x128xf32, #tpu.memory_space<vmem>> -> memref<1x80x128xf32, #tpu.memory_space<vmem>>
        %dma_start3A_42 = tpu.memref_squeeze %dma_start3A_41 : memref<1x80x128xf32, #tpu.memory_space<vmem>> -> memref<80x128xf32, #tpu.memory_space<vmem>>
        %dma_start3A_43 = tpu.memref_slice %arg7[%mul3A_38] : memref<10000xi32, #tpu.memory_space<vmem>> -> memref<80xi32, #tpu.memory_space<vmem>>
        %dma_start3A_44 = arith.constant 0 : i32
        %dma_start3A_45 = arith.constant 0 : i32
        %dma_start3A_46 = tpu.memref_slice %arg4[%dma_start3A_44, %dma_start3A_45] : memref<10000x128xf32, #tpu.memory_space<hbm>> -> memref<10000x128xf32, #tpu.memory_space<hbm>>
        %dma_start3A_47 = tpu.memref_slice %arg11[%rem3A_23] : memref<3x!tpu.dma_semaphore, #tpu.memory_space<semaphore_mem>> -> memref<1x!tpu.dma_semaphore, #tpu.memory_space<semaphore_mem>>
        %dma_start3A_48 = tpu.memref_squeeze %dma_start3A_47 : memref<1x!tpu.dma_semaphore, #tpu.memory_space<semaphore_mem>> -> memref<!tpu.dma_semaphore, #tpu.memory_space<semaphore_mem>>
        tpu.enqueue_indirect_dma source(%dma_start3A_46 : memref<10000x128xf32, #tpu.memory_space<hbm>>) target(%dma_start3A_42 : memref<80x128xf32, #tpu.memory_space<vmem>>) offsets(%dma_start3A_43 : memref<80xi32, #tpu.memory_space<vmem>>) semaphore(%dma_start3A_48 : memref<!tpu.dma_semaphore, #tpu.memory_space<semaphore_mem>>)
      } else {
      }
      %ge3A = arith.constant 0 : i32
      %ge3A_19 = arith.cmpi sge, %sub3A_16, %ge3A : i32
      %convert_element_type3A_20 = arith.extui %ge3A_19 : i1 to i32
      %cond3A_21 = arith.constant 0 : i32
      %cond3A_22 = arith.cmpi ne, %convert_element_type3A_20, %cond3A_21 : i32
      scf.if %cond3A_22 {
        %rem3A = arith.constant 3 : i32
        %rem3A_23 = arith.remsi %sub3A_16, %rem3A : i32
        %dma_wait3A = arith.constant 0 : i32
        %dma_wait3A_24 = arith.constant 0 : i32
        %dma_wait3A_25 = tpu.memref_slice %arg8[%rem3A_23, %dma_wait3A_24] : memref<3x80xi32, #tpu.memory_space<vmem>> -> memref<1x80xi32, #tpu.memory_space<vmem>>
        %dma_wait3A_26 = tpu.memref_squeeze %dma_wait3A_25 : memref<1x80xi32, #tpu.memory_space<vmem>> -> memref<80xi32, #tpu.memory_space<vmem>>
        %dma_wait3A_27 = arith.constant 0 : i32
        %dma_wait3A_28 = tpu.memref_slice %arg3[%add3A, %dma_wait3A, %dma_wait3A_27] : memref<32x125x80xi32, #tpu.memory_space<hbm>> -> memref<1x1x80xi32, #tpu.memory_space<hbm>>
        %dma_wait3A_29 = tpu.memref_squeeze %dma_wait3A_28 : memref<1x1x80xi32, #tpu.memory_space<hbm>> -> memref<80xi32, #tpu.memory_space<hbm>>
        %dma_wait3A_30 = tpu.memref_slice %arg12[%rem3A_23] : memref<3x!tpu.dma_semaphore, #tpu.memory_space<semaphore_mem>> -> memref<1x!tpu.dma_semaphore, #tpu.memory_space<semaphore_mem>>
        %dma_wait3A_31 = tpu.memref_squeeze %dma_wait3A_30 : memref<1x!tpu.dma_semaphore, #tpu.memory_space<semaphore_mem>> -> memref<!tpu.dma_semaphore, #tpu.memory_space<semaphore_mem>>
        %dma_wait3A_32 = arith.constant 0 : i32
        %dma_wait3A_33 = tpu.memref_slice %arg8[%rem3A_23, %dma_wait3A_32] : memref<3x80xi32, #tpu.memory_space<vmem>> -> memref<1x80xi32, #tpu.memory_space<vmem>>
        %dma_wait3A_34 = tpu.memref_squeeze %dma_wait3A_33 : memref<1x80xi32, #tpu.memory_space<vmem>> -> memref<80xi32, #tpu.memory_space<vmem>>
        %dma_wait3A_35 = arith.constant 0 : i32
        %dma_wait3A_36 = tpu.memref_slice %arg3[%add3A, %dma_wait3A, %dma_wait3A_35] : memref<32x125x80xi32, #tpu.memory_space<hbm>> -> memref<1x1x80xi32, #tpu.memory_space<hbm>>
        %dma_wait3A_37 = tpu.memref_squeeze %dma_wait3A_36 : memref<1x1x80xi32, #tpu.memory_space<hbm>> -> memref<80xi32, #tpu.memory_space<hbm>>
        tpu.wait_dma2 semaphore(%dma_wait3A_31 : memref<!tpu.dma_semaphore, #tpu.memory_space<semaphore_mem>>) src(%dma_wait3A_37 : memref<80xi32, #tpu.memory_space<hbm>>) dst(%dma_wait3A_34 : memref<80xi32, #tpu.memory_space<vmem>>)
        %dma_wait3A_38 = arith.constant 0 : i32
        %dma_wait3A_39 = arith.constant 0 : i32
        %dma_wait3A_40 = tpu.memref_slice %arg9[%rem3A_23, %dma_wait3A_38, %dma_wait3A_39] : memref<3x80x128xf32, #tpu.memory_space<vmem>> -> memref<1x80x128xf32, #tpu.memory_space<vmem>>
        %dma_wait3A_41 = tpu.memref_squeeze %dma_wait3A_40 : memref<1x80x128xf32, #tpu.memory_space<vmem>> -> memref<80x128xf32, #tpu.memory_space<vmem>>
        %dma_wait3A_42 = arith.constant 0 : i32
        %dma_wait3A_43 = arith.constant 0 : i32
        %dma_wait3A_44 = tpu.memref_slice %arg4[%dma_wait3A_42, %dma_wait3A_43] : memref<10000x128xf32, #tpu.memory_space<hbm>> -> memref<80x128xf32, #tpu.memory_space<hbm>>
        %dma_wait3A_45 = tpu.memref_slice %arg11[%rem3A_23] : memref<3x!tpu.dma_semaphore, #tpu.memory_space<semaphore_mem>> -> memref<1x!tpu.dma_semaphore, #tpu.memory_space<semaphore_mem>>
        %dma_wait3A_46 = tpu.memref_squeeze %dma_wait3A_45 : memref<1x!tpu.dma_semaphore, #tpu.memory_space<semaphore_mem>> -> memref<!tpu.dma_semaphore, #tpu.memory_space<semaphore_mem>>
        %dma_wait3A_47 = arith.constant 0 : i32
        %dma_wait3A_48 = arith.constant 0 : i32
        %dma_wait3A_49 = tpu.memref_slice %arg9[%rem3A_23, %dma_wait3A_47, %dma_wait3A_48] : memref<3x80x128xf32, #tpu.memory_space<vmem>> -> memref<1x80x128xf32, #tpu.memory_space<vmem>>
        %dma_wait3A_50 = tpu.memref_squeeze %dma_wait3A_49 : memref<1x80x128xf32, #tpu.memory_space<vmem>> -> memref<80x128xf32, #tpu.memory_space<vmem>>
        %dma_wait3A_51 = arith.constant 0 : i32
        %dma_wait3A_52 = arith.constant 0 : i32
        %dma_wait3A_53 = tpu.memref_slice %arg4[%dma_wait3A_51, %dma_wait3A_52] : memref<10000x128xf32, #tpu.memory_space<hbm>> -> memref<80x128xf32, #tpu.memory_space<hbm>>
        tpu.wait_dma2 semaphore(%dma_wait3A_46 : memref<!tpu.dma_semaphore, #tpu.memory_space<semaphore_mem>>) src(%dma_wait3A_53 : memref<80x128xf32, #tpu.memory_space<hbm>>) dst(%dma_wait3A_50 : memref<80x128xf32, #tpu.memory_space<vmem>>)
        "tpu.region"() ({
          %run_scoped3A = tpu.sem_alloc : memref<!tpu.dma_semaphore, #tpu.memory_space<semaphore_mem>>
          %dma_start3A = arith.constant 0 : i32
          %dma_start3A_54 = arith.constant 0 : i32
          %dma_start3A_55 = tpu.memref_slice %arg9[%rem3A_23, %dma_start3A, %dma_start3A_54] : memref<3x80x128xf32, #tpu.memory_space<vmem>> -> memref<1x80x128xf32, #tpu.memory_space<vmem>>
          %dma_start3A_56 = tpu.memref_squeeze %dma_start3A_55 : memref<1x80x128xf32, #tpu.memory_space<vmem>> -> memref<80x128xf32, #tpu.memory_space<vmem>>
          %dma_start3A_57 = arith.constant 0 : i32
          %dma_start3A_58 = tpu.memref_slice %arg8[%rem3A_23, %dma_start3A_57] : memref<3x80xi32, #tpu.memory_space<vmem>> -> memref<1x80xi32, #tpu.memory_space<vmem>>
          %dma_start3A_59 = tpu.memref_squeeze %dma_start3A_58 : memref<1x80xi32, #tpu.memory_space<vmem>> -> memref<80xi32, #tpu.memory_space<vmem>>
          %dma_start3A_60 = arith.constant 0 : i32
          %dma_start3A_61 = arith.constant 0 : i32
          %dma_start3A_62 = tpu.memref_slice %arg10[%dma_start3A_60, %dma_start3A_61] : memref<10240x128xf32, #tpu.memory_space<vmem_shared>> -> memref<10240x128xf32, #tpu.memory_space<vmem_shared>>
          tpu.enqueue_indirect_dma source(%dma_start3A_56 : memref<80x128xf32, #tpu.memory_space<vmem>>) target(%dma_start3A_62 : memref<10240x128xf32, #tpu.memory_space<vmem_shared>>) offsets(%dma_start3A_59 : memref<80xi32, #tpu.memory_space<vmem>>) semaphore(%run_scoped3A : memref<!tpu.dma_semaphore, #tpu.memory_space<semaphore_mem>>) {add = true}
          %dma_wait3A_63 = arith.constant 0 : i32
          %dma_wait3A_64 = arith.constant 0 : i32
          %dma_wait3A_65 = tpu.memref_slice %arg9[%rem3A_23, %dma_wait3A_63, %dma_wait3A_64] : memref<3x80x128xf32, #tpu.memory_space<vmem>> -> memref<1x80x128xf32, #tpu.memory_space<vmem>>
          %dma_wait3A_66 = tpu.memref_squeeze %dma_wait3A_65 : memref<1x80x128xf32, #tpu.memory_space<vmem>> -> memref<80x128xf32, #tpu.memory_space<vmem>>
          %dma_wait3A_67 = arith.constant 0 : i32
          %dma_wait3A_68 = tpu.memref_slice %arg8[%rem3A_23, %dma_wait3A_67] : memref<3x80xi32, #tpu.memory_space<vmem>> -> memref<1x80xi32, #tpu.memory_space<vmem>>
          %dma_wait3A_69 = tpu.memref_squeeze %dma_wait3A_68 : memref<1x80xi32, #tpu.memory_space<vmem>> -> memref<80xi32, #tpu.memory_space<vmem>>
          %dma_wait3A_70 = arith.constant 0 : i32
          %dma_wait3A_71 = arith.constant 0 : i32
          %dma_wait3A_72 = tpu.memref_slice %arg10[%dma_wait3A_70, %dma_wait3A_71] : memref<10240x128xf32, #tpu.memory_space<vmem_shared>> -> memref<10240x128xf32, #tpu.memory_space<vmem_shared>>
          tpu.wait_indirect_dma semaphore(%run_scoped3A : memref<!tpu.dma_semaphore, #tpu.memory_space<semaphore_mem>>) src(%dma_wait3A_66 : memref<80x128xf32, #tpu.memory_space<vmem>>) dst(%dma_wait3A_72 : memref<10240x128xf32, #tpu.memory_space<vmem_shared>>)
          tpu.yield
        }) : () -> ()
      } else {
      }
    }
    %scan3A_9 = arith.constant 127 : i32
    %barrier3A_10 = arith.constant 0 : index
    tpu.barrier barrier_id(%barrier3A_10)
    %mul3A_11 = arith.constant 640 : i32
    %mul3A_12 = arith.muli %arg1, %mul3A_11 : i32
    %mul3A_13 = arith.constant 640 : i32
    %mul3A_14 = arith.muli %arg1, %mul3A_13 : i32
    "tpu.region"() ({
      %run_scoped3A = tpu.sem_alloc : memref<!tpu.dma_semaphore, #tpu.memory_space<semaphore_mem>>
      %dma_start3A = arith.constant 0 : i32
      %dma_start3A_15 = tpu.memref_slice %arg6[%arg0, %mul3A_14, %dma_start3A] : memref<2x10240x128xf32, #tpu.memory_space<hbm>> -> memref<1x640x128xf32, #tpu.memory_space<hbm>>
      %dma_start3A_16 = tpu.memref_squeeze %dma_start3A_15 : memref<1x640x128xf32, #tpu.memory_space<hbm>> -> memref<640x128xf32, #tpu.memory_space<hbm>>
      %dma_start3A_17 = arith.constant 0 : i32
      %dma_start3A_18 = tpu.memref_slice %arg10[%mul3A_12, %dma_start3A_17] : memref<10240x128xf32, #tpu.memory_space<vmem_shared>> -> memref<640x128xf32, #tpu.memory_space<vmem_shared>>
      tpu.enqueue_dma source(%dma_start3A_18 : memref<640x128xf32, #tpu.memory_space<vmem_shared>>) target(%dma_start3A_16 : memref<640x128xf32, #tpu.memory_space<hbm>>) target_semaphore(%run_scoped3A : memref<!tpu.dma_semaphore, #tpu.memory_space<semaphore_mem>>)
      %dma_wait3A = arith.constant 0 : i32
      %dma_wait3A_19 = tpu.memref_slice %arg6[%arg0, %mul3A_14, %dma_wait3A] : memref<2x10240x128xf32, #tpu.memory_space<hbm>> -> memref<1x640x128xf32, #tpu.memory_space<hbm>>
      %dma_wait3A_20 = tpu.memref_squeeze %dma_wait3A_19 : memref<1x640x128xf32, #tpu.memory_space<hbm>> -> memref<640x128xf32, #tpu.memory_space<hbm>>
      %dma_wait3A_21 = arith.constant 0 : i32
      %dma_wait3A_22 = tpu.memref_slice %arg10[%mul3A_12, %dma_wait3A_21] : memref<10240x128xf32, #tpu.memory_space<vmem_shared>> -> memref<640x128xf32, #tpu.memory_space<vmem_shared>>
      tpu.wait_dma2 semaphore(%run_scoped3A : memref<!tpu.dma_semaphore, #tpu.memory_space<semaphore_mem>>) src(%dma_wait3A_22 : memref<640x128xf32, #tpu.memory_space<vmem_shared>>) dst(%dma_wait3A_20 : memref<640x128xf32, #tpu.memory_space<hbm>>)
      tpu.yield
    }) : () -> ()
    return
  }
}

#map = affine_map<(d0, d1) -> (0, 0, 0)>
#map1 = affine_map<(d0, d1) -> (0)>
#map2 = affine_map<(d0, d1) -> (0, 0)>
module attributes {stable_mosaic.version = 14 : i64} {
  func.func @_degree_kernel(%arg0: i32, %arg1: i32, %arg2: memref<32x125x80xi32, #tpu.memory_space<hbm>>, %arg3: memref<10240xf32, #tpu.memory_space<hbm>>, %arg4: memref<80xf32, #tpu.memory_space<hbm>>, %arg5: memref<2x10240xf32, #tpu.memory_space<hbm>>, %arg6: memref<125x80xi32, #tpu.memory_space<vmem>>, %arg7: memref<80xf32, #tpu.memory_space<vmem>>, %arg8: memref<10240xf32, #tpu.memory_space<vmem_shared>>) attributes {dimension_semantics = [#tpu.dimension_semantics<core_parallel>, #tpu.dimension_semantics<subcore_parallel>], iteration_bounds = array<i64: 2, 16>, scalar_prefetch = 0 : i64, scratch_operands = 3 : i64, tpu.core_type = #tpu.core_type<sc_vector_subcore>, window_params = [{transform_indices = #map}, {transform_indices = #map1}, {transform_indices = #map1}, {transform_indices = #map2}]} {
    %mul3A = arith.constant 16 : i32
    %mul3A_0 = arith.muli %arg0, %mul3A : i32
    %add3A = arith.addi %mul3A_0, %arg1 : i32
    "tpu.region"() ({
      %run_scoped3A = tpu.sem_alloc : memref<!tpu.dma_semaphore, #tpu.memory_space<semaphore_mem>>
      %dma_start3A = arith.constant 0 : i32
      %dma_start3A_15 = arith.constant 0 : i32
      %dma_start3A_16 = tpu.memref_slice %arg2[%add3A, %dma_start3A, %dma_start3A_15] : memref<32x125x80xi32, #tpu.memory_space<hbm>> -> memref<1x125x80xi32, #tpu.memory_space<hbm>>
      %dma_start3A_17 = tpu.memref_squeeze %dma_start3A_16 : memref<1x125x80xi32, #tpu.memory_space<hbm>> -> memref<125x80xi32, #tpu.memory_space<hbm>>
      %dma_start3A_18 = arith.constant 0 : i32
      %dma_start3A_19 = arith.constant 0 : i32
      %dma_start3A_20 = tpu.memref_slice %arg2[%add3A, %dma_start3A_18, %dma_start3A_19] : memref<32x125x80xi32, #tpu.memory_space<hbm>> -> memref<1x125x80xi32, #tpu.memory_space<hbm>>
      %dma_start3A_21 = tpu.memref_squeeze %dma_start3A_20 : memref<1x125x80xi32, #tpu.memory_space<hbm>> -> memref<125x80xi32, #tpu.memory_space<hbm>>
      tpu.enqueue_dma source(%dma_start3A_21 : memref<125x80xi32, #tpu.memory_space<hbm>>) target(%arg6 : memref<125x80xi32, #tpu.memory_space<vmem>>) target_semaphore(%run_scoped3A : memref<!tpu.dma_semaphore, #tpu.memory_space<semaphore_mem>>)
      %dma_wait3A = arith.constant 0 : i32
      %dma_wait3A_22 = arith.constant 0 : i32
      %dma_wait3A_23 = tpu.memref_slice %arg2[%add3A, %dma_wait3A, %dma_wait3A_22] : memref<32x125x80xi32, #tpu.memory_space<hbm>> -> memref<1x125x80xi32, #tpu.memory_space<hbm>>
      %dma_wait3A_24 = tpu.memref_squeeze %dma_wait3A_23 : memref<1x125x80xi32, #tpu.memory_space<hbm>> -> memref<125x80xi32, #tpu.memory_space<hbm>>
      %dma_wait3A_25 = arith.constant 0 : i32
      %dma_wait3A_26 = arith.constant 0 : i32
      %dma_wait3A_27 = tpu.memref_slice %arg2[%add3A, %dma_wait3A_25, %dma_wait3A_26] : memref<32x125x80xi32, #tpu.memory_space<hbm>> -> memref<1x125x80xi32, #tpu.memory_space<hbm>>
      %dma_wait3A_28 = tpu.memref_squeeze %dma_wait3A_27 : memref<1x125x80xi32, #tpu.memory_space<hbm>> -> memref<125x80xi32, #tpu.memory_space<hbm>>
      tpu.wait_dma2 semaphore(%run_scoped3A : memref<!tpu.dma_semaphore, #tpu.memory_space<semaphore_mem>>) src(%dma_wait3A_28 : memref<125x80xi32, #tpu.memory_space<hbm>>) dst(%arg6 : memref<125x80xi32, #tpu.memory_space<vmem>>)
      tpu.yield
    }) : () -> ()
    "tpu.region"() ({
      %run_scoped3A = tpu.sem_alloc : memref<!tpu.dma_semaphore, #tpu.memory_space<semaphore_mem>>
      tpu.enqueue_dma source(%arg4 : memref<80xf32, #tpu.memory_space<hbm>>) target(%arg7 : memref<80xf32, #tpu.memory_space<vmem>>) target_semaphore(%run_scoped3A : memref<!tpu.dma_semaphore, #tpu.memory_space<semaphore_mem>>)
      tpu.wait_dma2 semaphore(%run_scoped3A : memref<!tpu.dma_semaphore, #tpu.memory_space<semaphore_mem>>) src(%arg4 : memref<80xf32, #tpu.memory_space<hbm>>) dst(%arg7 : memref<80xf32, #tpu.memory_space<vmem>>)
      tpu.yield
    }) : () -> ()
    %mul3A_1 = arith.constant 640 : i32
    %mul3A_2 = arith.muli %arg1, %mul3A_1 : i32
    %mul3A_3 = arith.constant 640 : i32
    %mul3A_4 = arith.muli %arg1, %mul3A_3 : i32
    "tpu.region"() ({
      %run_scoped3A = tpu.sem_alloc : memref<!tpu.dma_semaphore, #tpu.memory_space<semaphore_mem>>
      %dma_start3A = tpu.memref_slice %arg8[%mul3A_4] : memref<10240xf32, #tpu.memory_space<vmem_shared>> -> memref<640xf32, #tpu.memory_space<vmem_shared>>
      %dma_start3A_15 = tpu.memref_slice %arg3[%mul3A_2] : memref<10240xf32, #tpu.memory_space<hbm>> -> memref<640xf32, #tpu.memory_space<hbm>>
      tpu.enqueue_dma source(%dma_start3A_15 : memref<640xf32, #tpu.memory_space<hbm>>) target(%dma_start3A : memref<640xf32, #tpu.memory_space<vmem_shared>>) target_semaphore(%run_scoped3A : memref<!tpu.dma_semaphore, #tpu.memory_space<semaphore_mem>>)
      %dma_wait3A = tpu.memref_slice %arg8[%mul3A_4] : memref<10240xf32, #tpu.memory_space<vmem_shared>> -> memref<640xf32, #tpu.memory_space<vmem_shared>>
      %dma_wait3A_16 = tpu.memref_slice %arg3[%mul3A_2] : memref<10240xf32, #tpu.memory_space<hbm>> -> memref<640xf32, #tpu.memory_space<hbm>>
      tpu.wait_dma2 semaphore(%run_scoped3A : memref<!tpu.dma_semaphore, #tpu.memory_space<semaphore_mem>>) src(%dma_wait3A_16 : memref<640xf32, #tpu.memory_space<hbm>>) dst(%dma_wait3A : memref<640xf32, #tpu.memory_space<vmem_shared>>)
      tpu.yield
    }) : () -> ()
    %barrier3A = arith.constant 0 : index
    tpu.barrier barrier_id(%barrier3A)
    %scan3A = arith.constant 0 : i32
    %scan3A_5 = arith.constant 0 : i32
    %scan3A_6 = arith.constant 125 : i32
    %scan3A_7 = arith.addi %scan3A_5, %scan3A_6 : i32
    %scan3A_8 = arith.constant 1 : i32
    scf.for %scan3A_15 = %scan3A_5 to %scan3A_7 step %scan3A_8  : i32 {
      "tpu.region"() ({
        %run_scoped3A = tpu.sem_alloc : memref<!tpu.dma_semaphore, #tpu.memory_space<semaphore_mem>>
        %dma_start3A = arith.constant 0 : i32
        %dma_start3A_16 = tpu.memref_slice %arg6[%scan3A_15, %dma_start3A] : memref<125x80xi32, #tpu.memory_space<vmem>> -> memref<1x80xi32, #tpu.memory_space<vmem>>
        %dma_start3A_17 = tpu.memref_squeeze %dma_start3A_16 : memref<1x80xi32, #tpu.memory_space<vmem>> -> memref<80xi32, #tpu.memory_space<vmem>>
        %dma_start3A_18 = arith.constant 0 : i32
        %dma_start3A_19 = tpu.memref_slice %arg8[%dma_start3A_18] : memref<10240xf32, #tpu.memory_space<vmem_shared>> -> memref<10240xf32, #tpu.memory_space<vmem_shared>>
        tpu.enqueue_indirect_dma source(%arg7 : memref<80xf32, #tpu.memory_space<vmem>>) target(%dma_start3A_19 : memref<10240xf32, #tpu.memory_space<vmem_shared>>) offsets(%dma_start3A_17 : memref<80xi32, #tpu.memory_space<vmem>>) semaphore(%run_scoped3A : memref<!tpu.dma_semaphore, #tpu.memory_space<semaphore_mem>>) {add = true}
        %dma_wait3A = arith.constant 0 : i32
        %dma_wait3A_20 = tpu.memref_slice %arg6[%scan3A_15, %dma_wait3A] : memref<125x80xi32, #tpu.memory_space<vmem>> -> memref<1x80xi32, #tpu.memory_space<vmem>>
        %dma_wait3A_21 = tpu.memref_squeeze %dma_wait3A_20 : memref<1x80xi32, #tpu.memory_space<vmem>> -> memref<80xi32, #tpu.memory_space<vmem>>
        %dma_wait3A_22 = arith.constant 0 : i32
        %dma_wait3A_23 = tpu.memref_slice %arg8[%dma_wait3A_22] : memref<10240xf32, #tpu.memory_space<vmem_shared>> -> memref<10240xf32, #tpu.memory_space<vmem_shared>>
        tpu.wait_indirect_dma semaphore(%run_scoped3A : memref<!tpu.dma_semaphore, #tpu.memory_space<semaphore_mem>>) src(%arg7 : memref<80xf32, #tpu.memory_space<vmem>>) dst(%dma_wait3A_23 : memref<10240xf32, #tpu.memory_space<vmem_shared>>)
        tpu.yield
      }) : () -> ()
    }
    %scan3A_9 = arith.constant 125 : i32
    %barrier3A_10 = arith.constant 0 : index
    tpu.barrier barrier_id(%barrier3A_10)
    %mul3A_11 = arith.constant 640 : i32
    %mul3A_12 = arith.muli %arg1, %mul3A_11 : i32
    %mul3A_13 = arith.constant 640 : i32
    %mul3A_14 = arith.muli %arg1, %mul3A_13 : i32
    "tpu.region"() ({
      %run_scoped3A = tpu.sem_alloc : memref<!tpu.dma_semaphore, #tpu.memory_space<semaphore_mem>>
      %dma_start3A = tpu.memref_slice %arg5[%arg0, %mul3A_14] : memref<2x10240xf32, #tpu.memory_space<hbm>> -> memref<1x640xf32, #tpu.memory_space<hbm>>
      %dma_start3A_15 = tpu.memref_squeeze %dma_start3A : memref<1x640xf32, #tpu.memory_space<hbm>> -> memref<640xf32, #tpu.memory_space<hbm>>
      %dma_start3A_16 = tpu.memref_slice %arg8[%mul3A_12] : memref<10240xf32, #tpu.memory_space<vmem_shared>> -> memref<640xf32, #tpu.memory_space<vmem_shared>>
      tpu.enqueue_dma source(%dma_start3A_16 : memref<640xf32, #tpu.memory_space<vmem_shared>>) target(%dma_start3A_15 : memref<640xf32, #tpu.memory_space<hbm>>) target_semaphore(%run_scoped3A : memref<!tpu.dma_semaphore, #tpu.memory_space<semaphore_mem>>)
      %dma_wait3A = tpu.memref_slice %arg5[%arg0, %mul3A_14] : memref<2x10240xf32, #tpu.memory_space<hbm>> -> memref<1x640xf32, #tpu.memory_space<hbm>>
      %dma_wait3A_17 = tpu.memref_squeeze %dma_wait3A : memref<1x640xf32, #tpu.memory_space<hbm>> -> memref<640xf32, #tpu.memory_space<hbm>>
      %dma_wait3A_18 = tpu.memref_slice %arg8[%mul3A_12] : memref<10240xf32, #tpu.memory_space<vmem_shared>> -> memref<640xf32, #tpu.memory_space<vmem_shared>>
      tpu.wait_dma2 semaphore(%run_scoped3A : memref<!tpu.dma_semaphore, #tpu.memory_space<semaphore_mem>>) src(%dma_wait3A_18 : memref<640xf32, #tpu.memory_space<vmem_shared>>) dst(%dma_wait3A_17 : memref<640xf32, #tpu.memory_space<hbm>>)
      tpu.yield
    }) : () -> ()
    return
  }
}

module attributes {stable_mosaic.version = 14 : i64} {
  func.func @_prep_body(%arg0: i32, %arg1: memref<2000x2xf32, #tpu.memory_space<vmem>>, %arg2: memref<2000x128xf32, #tpu.memory_space<vmem>>, %arg3: memref<2000x1xf32, #tpu.memory_space<vmem>>, %arg4: memref<2000x128xf32, #tpu.memory_space<vmem>>) attributes {dimension_semantics = [#tpu.dimension_semantics<arbitrary>], iteration_bounds = array<i64: 5>, scalar_prefetch = 0 : i64, scratch_operands = 0 : i64, tpu.core_type = #tpu.core_type<tc>, window_params = [{transform_indices = @transform_0, window_bounds = array<i64: 2000, 2>}, {transform_indices = @transform_1, window_bounds = array<i64: 2000, 128>}, {transform_indices = @transform_2, window_bounds = array<i64: 2000, 1>}, {transform_indices = @transform_3, window_bounds = array<i64: 2000, 128>}]} {
    %get3A = arith.constant 0 : index
    %get3A_0 = arith.constant 0 : index
    %get3A_1 = vector.load %arg1[%get3A, %get3A_0] : memref<2000x2xf32, #tpu.memory_space<vmem>>, vector<2000x1xf32>
    %get3A_2 = arith.constant 0 : index
    %get3A_3 = arith.constant 1 : index
    %get3A_4 = vector.load %arg1[%get3A_2, %get3A_3] : memref<2000x2xf32, #tpu.memory_space<vmem>>, vector<2000x1xf32>
    %add3A = arith.addf %get3A_1, %get3A_4 : vector<2000x1xf32>
    %add3A_5 = arith.constant 1.000000e+00 : f32
    %add3A_6 = vector.broadcast %add3A_5 : f32 to vector<2000x1xf32>
    %add3A_7 = arith.addf %add3A, %add3A_6 : vector<2000x1xf32>
    %rsqrt3A = math.rsqrt %add3A_7 : vector<2000x1xf32>
    %swap3A = arith.constant 0 : index
    %swap3A_8 = arith.constant 0 : index
    %swap3A_9 = vector.load %arg3[%swap3A, %swap3A_8] : memref<2000x1xf32, #tpu.memory_space<vmem>>, vector<2000x1xf32>
    tpu.vector_store %arg3[%swap3A, %swap3A_8], %rsqrt3A {strides = array<i32>} : memref<2000x1xf32, #tpu.memory_space<vmem>>, vector<2000x1xf32>,
    %get3A_10 = arith.constant 0 : index
    %get3A_11 = arith.constant 0 : index
    %get3A_12 = vector.load %arg2[%get3A_10, %get3A_11] : memref<2000x128xf32, #tpu.memory_space<vmem>>, vector<2000x128xf32>
    %mul3A = vector.broadcast %rsqrt3A : vector<2000x1xf32> to vector<2000x128xf32>
    %mul3A_13 = arith.mulf %mul3A, %get3A_12 : vector<2000x128xf32>
    %swap3A_14 = arith.constant 0 : index
    %swap3A_15 = arith.constant 0 : index
    %swap3A_16 = vector.load %arg4[%swap3A_14, %swap3A_15] : memref<2000x128xf32, #tpu.memory_space<vmem>>, vector<2000x128xf32>
    tpu.vector_store %arg4[%swap3A_14, %swap3A_15], %mul3A_13 {strides = array<i32>} : memref<2000x128xf32, #tpu.memory_space<vmem>>, vector<2000x128xf32>,
    return
  }
  func.func @transform_0(%arg0: i32) -> (i32, i32) {
    %c0_i32 = arith.constant 0 : i32
    %c0_i32_0 = arith.constant 0 : i32
    return %arg0, %c0_i32 : i32, i32
  }
  func.func @transform_1(%arg0: i32) -> (i32, i32) {
    %c0_i32 = arith.constant 0 : i32
    %c0_i32_0 = arith.constant 0 : i32
    return %arg0, %c0_i32 : i32, i32
  }
  func.func @transform_2(%arg0: i32) -> (i32, i32) {
    %c0_i32 = arith.constant 0 : i32
    %c0_i32_0 = arith.constant 0 : i32
    return %arg0, %c0_i32 : i32, i32
  }
  func.func @transform_3(%arg0: i32) -> (i32, i32) {
    %c0_i32 = arith.constant 0 : i32
    %c0_i32_0 = arith.constant 0 : i32
    return %arg0, %c0_i32 : i32, i32
  }
}

module attributes {stable_mosaic.version = 14 : i64} {
  func.func @_layer_body(%arg0: i32, %arg1: memref<1x2000x128xf32, #tpu.memory_space<vmem>>, %arg2: memref<1x2000x128xf32, #tpu.memory_space<vmem>>, %arg3: memref<2000x128xf32, #tpu.memory_space<vmem>>, %arg4: memref<2000x1xf32, #tpu.memory_space<vmem>>, %arg5: memref<128x128xf32, #tpu.memory_space<vmem>>, %arg6: memref<1x128xf32, #tpu.memory_space<vmem>>, %arg7: memref<2000x128xf32, #tpu.memory_space<vmem>>) attributes {dimension_semantics = [#tpu.dimension_semantics<arbitrary>], iteration_bounds = array<i64: 5>, scalar_prefetch = 0 : i64, scratch_operands = 0 : i64, tpu.core_type = #tpu.core_type<tc>, window_params = [{transform_indices = @transform_0, window_bounds = array<i64: 1, 2000, 128>}, {transform_indices = @transform_1, window_bounds = array<i64: 1, 2000, 128>}, {transform_indices = @transform_2, window_bounds = array<i64: 2000, 128>}, {transform_indices = @transform_3, window_bounds = array<i64: 2000, 1>}, {pipeline_mode = #tpu.pipeline_mode<synchronous>, transform_indices = @transform_4, window_bounds = array<i64: 128, 128>}, {pipeline_mode = #tpu.pipeline_mode<synchronous>, transform_indices = @transform_5, window_bounds = array<i64: 1, 128>}, {transform_indices = @transform_6, window_bounds = array<i64: 2000, 128>}]} {
    %get3A = arith.constant 0 : index
    %get3A_0 = arith.constant 0 : index
    %get3A_1 = vector.load %arg4[%get3A, %get3A_0] : memref<2000x1xf32, #tpu.memory_space<vmem>>, vector<2000x1xf32>
    %get3A_2 = arith.constant 0 : index
    %get3A_3 = arith.constant 0 : index
    %get3A_4 = arith.constant 0 : index
    %get3A_5 = vector.load %arg1[%get3A_2, %get3A_3, %get3A_4] : memref<1x2000x128xf32, #tpu.memory_space<vmem>>, vector<1x2000x128xf32>
    %get3A_6 = vector.shape_cast %get3A_5 : vector<1x2000x128xf32> to vector<2000x128xf32>
    %get3A_7 = arith.constant 0 : index
    %get3A_8 = arith.constant 0 : index
    %get3A_9 = arith.constant 0 : index
    %get3A_10 = vector.load %arg2[%get3A_7, %get3A_8, %get3A_9] : memref<1x2000x128xf32, #tpu.memory_space<vmem>>, vector<1x2000x128xf32>
    %get3A_11 = vector.shape_cast %get3A_10 : vector<1x2000x128xf32> to vector<2000x128xf32>
    %add3A = arith.addf %get3A_6, %get3A_11 : vector<2000x128xf32>
    %get3A_12 = arith.constant 0 : index
    %get3A_13 = arith.constant 0 : index
    %get3A_14 = vector.load %arg3[%get3A_12, %get3A_13] : memref<2000x128xf32, #tpu.memory_space<vmem>>, vector<2000x128xf32>
    %add3A_15 = arith.addf %add3A, %get3A_14 : vector<2000x128xf32>
    %mul3A = vector.broadcast %get3A_1 : vector<2000x1xf32> to vector<2000x128xf32>
    %mul3A_16 = arith.mulf %mul3A, %add3A_15 : vector<2000x128xf32>
    %get3A_17 = arith.constant 0 : index
    %get3A_18 = arith.constant 0 : index
    %get3A_19 = vector.load %arg5[%get3A_17, %get3A_18] : memref<128x128xf32, #tpu.memory_space<vmem>>, vector<128x128xf32>
    %dot_general3A = arith.constant dense<0.000000e+00> : vector<2000x128xf32>
    %dot_general3A_20 = tpu.matmul %mul3A_16, %get3A_19, %dot_general3A {dimension_numbers = #tpu.dot_dimension_numbers<[1], [0], [0], [1], [0, 0, 1, 1], [], []>, precision = #tpu.contract_precision<fp32>, transpose_lhs_hint = false} : vector<2000x128xf32>, vector<128x128xf32>, vector<2000x128xf32> -> vector<2000x128xf32>
    %get3A_21 = arith.constant 0 : index
    %get3A_22 = arith.constant 0 : index
    %get3A_23 = vector.load %arg6[%get3A_21, %get3A_22] : memref<1x128xf32, #tpu.memory_space<vmem>>, vector<1x128xf32>
    %add3A_24 = vector.broadcast %get3A_23 : vector<1x128xf32> to vector<2000x128xf32>
    %add3A_25 = arith.addf %dot_general3A_20, %add3A_24 : vector<2000x128xf32>
    %max3A = arith.constant 0.000000e+00 : f32
    %max3A_26 = vector.broadcast %max3A : f32 to vector<2000x128xf32>
    %max3A_27 = arith.maximumf %add3A_25, %max3A_26 : vector<2000x128xf32>
    %mul3A_28 = vector.broadcast %get3A_1 : vector<2000x1xf32> to vector<2000x128xf32>
    %mul3A_29 = arith.mulf %mul3A_28, %max3A_27 : vector<2000x128xf32>
    %swap3A = arith.constant 0 : index
    %swap3A_30 = arith.constant 0 : index
    %swap3A_31 = vector.load %arg7[%swap3A, %swap3A_30] : memref<2000x128xf32, #tpu.memory_space<vmem>>, vector<2000x128xf32>
    tpu.vector_store %arg7[%swap3A, %swap3A_30], %mul3A_29 {strides = array<i32>} : memref<2000x128xf32, #tpu.memory_space<vmem>>, vector<2000x128xf32>,
    return
  }
  func.func @transform_0(%arg0: i32) -> (i32, i32, i32) {
    %c0_i32 = arith.constant 0 : i32
    %c0_i32_0 = arith.constant 0 : i32
    %c0_i32_1 = arith.constant 0 : i32
    return %c0_i32, %arg0, %c0_i32_0 : i32, i32, i32
  }
  func.func @transform_1(%arg0: i32) -> (i32, i32, i32) {
    %c1_i32 = arith.constant 1 : i32
    %c0_i32 = arith.constant 0 : i32
    %c0_i32_0 = arith.constant 0 : i32
    return %c1_i32, %arg0, %c0_i32 : i32, i32, i32
  }
  func.func @transform_2(%arg0: i32) -> (i32, i32) {
    %c0_i32 = arith.constant 0 : i32
    %c0_i32_0 = arith.constant 0 : i32
    return %arg0, %c0_i32 : i32, i32
  }
  func.func @transform_3(%arg0: i32) -> (i32, i32) {
    %c0_i32 = arith.constant 0 : i32
    %c0_i32_0 = arith.constant 0 : i32
    return %arg0, %c0_i32 : i32, i32
  }
  func.func @transform_4(%arg0: i32) -> (i32, i32) {
    %c0_i32 = arith.constant 0 : i32
    %c0_i32_0 = arith.constant 0 : i32
    %c0_i32_1 = arith.constant 0 : i32
    return %c0_i32, %c0_i32_0 : i32, i32
  }
  func.func @transform_5(%arg0: i32) -> (i32, i32) {
    %c0_i32 = arith.constant 0 : i32
    %c0_i32_0 = arith.constant 0 : i32
    %c0_i32_1 = arith.constant 0 : i32
    return %c0_i32, %c0_i32_0 : i32, i32
  }
  func.func @transform_6(%arg0: i32) -> (i32, i32) {
    %c0_i32 = arith.constant 0 : i32
    %c0_i32_0 = arith.constant 0 : i32
    return %arg0, %c0_i32 : i32, i32
  }
}

module attributes {stable_mosaic.version = 14 : i64} {
  func.func @_layer_body(%arg0: i32, %arg1: memref<1x2000x128xf32, #tpu.memory_space<vmem>>, %arg2: memref<1x2000x128xf32, #tpu.memory_space<vmem>>, %arg3: memref<2000x128xf32, #tpu.memory_space<vmem>>, %arg4: memref<2000x1xf32, #tpu.memory_space<vmem>>, %arg5: memref<128x128xf32, #tpu.memory_space<vmem>>, %arg6: memref<1x128xf32, #tpu.memory_space<vmem>>, %arg7: memref<2000x128xf32, #tpu.memory_space<vmem>>) attributes {dimension_semantics = [#tpu.dimension_semantics<arbitrary>], iteration_bounds = array<i64: 5>, scalar_prefetch = 0 : i64, scratch_operands = 0 : i64, tpu.core_type = #tpu.core_type<tc>, window_params = [{transform_indices = @transform_0, window_bounds = array<i64: 1, 2000, 128>}, {transform_indices = @transform_1, window_bounds = array<i64: 1, 2000, 128>}, {transform_indices = @transform_2, window_bounds = array<i64: 2000, 128>}, {transform_indices = @transform_3, window_bounds = array<i64: 2000, 1>}, {pipeline_mode = #tpu.pipeline_mode<synchronous>, transform_indices = @transform_4, window_bounds = array<i64: 128, 128>}, {pipeline_mode = #tpu.pipeline_mode<synchronous>, transform_indices = @transform_5, window_bounds = array<i64: 1, 128>}, {transform_indices = @transform_6, window_bounds = array<i64: 2000, 128>}]} {
    %get3A = arith.constant 0 : index
    %get3A_0 = arith.constant 0 : index
    %get3A_1 = vector.load %arg4[%get3A, %get3A_0] : memref<2000x1xf32, #tpu.memory_space<vmem>>, vector<2000x1xf32>
    %get3A_2 = arith.constant 0 : index
    %get3A_3 = arith.constant 0 : index
    %get3A_4 = arith.constant 0 : index
    %get3A_5 = vector.load %arg1[%get3A_2, %get3A_3, %get3A_4] : memref<1x2000x128xf32, #tpu.memory_space<vmem>>, vector<1x2000x128xf32>
    %get3A_6 = vector.shape_cast %get3A_5 : vector<1x2000x128xf32> to vector<2000x128xf32>
    %get3A_7 = arith.constant 0 : index
    %get3A_8 = arith.constant 0 : index
    %get3A_9 = arith.constant 0 : index
    %get3A_10 = vector.load %arg2[%get3A_7, %get3A_8, %get3A_9] : memref<1x2000x128xf32, #tpu.memory_space<vmem>>, vector<1x2000x128xf32>
    %get3A_11 = vector.shape_cast %get3A_10 : vector<1x2000x128xf32> to vector<2000x128xf32>
    %add3A = arith.addf %get3A_6, %get3A_11 : vector<2000x128xf32>
    %get3A_12 = arith.constant 0 : index
    %get3A_13 = arith.constant 0 : index
    %get3A_14 = vector.load %arg3[%get3A_12, %get3A_13] : memref<2000x128xf32, #tpu.memory_space<vmem>>, vector<2000x128xf32>
    %add3A_15 = arith.addf %add3A, %get3A_14 : vector<2000x128xf32>
    %mul3A = vector.broadcast %get3A_1 : vector<2000x1xf32> to vector<2000x128xf32>
    %mul3A_16 = arith.mulf %mul3A, %add3A_15 : vector<2000x128xf32>
    %get3A_17 = arith.constant 0 : index
    %get3A_18 = arith.constant 0 : index
    %get3A_19 = vector.load %arg5[%get3A_17, %get3A_18] : memref<128x128xf32, #tpu.memory_space<vmem>>, vector<128x128xf32>
    %dot_general3A = arith.constant dense<0.000000e+00> : vector<2000x128xf32>
    %dot_general3A_20 = tpu.matmul %mul3A_16, %get3A_19, %dot_general3A {dimension_numbers = #tpu.dot_dimension_numbers<[1], [0], [0], [1], [0, 0, 1, 1], [], []>, precision = #tpu.contract_precision<fp32>, transpose_lhs_hint = false} : vector<2000x128xf32>, vector<128x128xf32>, vector<2000x128xf32> -> vector<2000x128xf32>
    %get3A_21 = arith.constant 0 : index
    %get3A_22 = arith.constant 0 : index
    %get3A_23 = vector.load %arg6[%get3A_21, %get3A_22] : memref<1x128xf32, #tpu.memory_space<vmem>>, vector<1x128xf32>
    %add3A_24 = vector.broadcast %get3A_23 : vector<1x128xf32> to vector<2000x128xf32>
    %add3A_25 = arith.addf %dot_general3A_20, %add3A_24 : vector<2000x128xf32>
    %swap3A = arith.constant 0 : index
    %swap3A_26 = arith.constant 0 : index
    %swap3A_27 = vector.load %arg7[%swap3A, %swap3A_26] : memref<2000x128xf32, #tpu.memory_space<vmem>>, vector<2000x128xf32>
    tpu.vector_store %arg7[%swap3A, %swap3A_26], %add3A_25 {strides = array<i32>} : memref<2000x128xf32, #tpu.memory_space<vmem>>, vector<2000x128xf32>,
    return
  }
  func.func @transform_0(%arg0: i32) -> (i32, i32, i32) {
    %c0_i32 = arith.constant 0 : i32
    %c0_i32_0 = arith.constant 0 : i32
    %c0_i32_1 = arith.constant 0 : i32
    return %c0_i32, %arg0, %c0_i32_0 : i32, i32, i32
  }
  func.func @transform_1(%arg0: i32) -> (i32, i32, i32) {
    %c1_i32 = arith.constant 1 : i32
    %c0_i32 = arith.constant 0 : i32
    %c0_i32_0 = arith.constant 0 : i32
    return %c1_i32, %arg0, %c0_i32 : i32, i32, i32
  }
  func.func @transform_2(%arg0: i32) -> (i32, i32) {
    %c0_i32 = arith.constant 0 : i32
    %c0_i32_0 = arith.constant 0 : i32
    return %arg0, %c0_i32 : i32, i32
  }
  func.func @transform_3(%arg0: i32) -> (i32, i32) {
    %c0_i32 = arith.constant 0 : i32
    %c0_i32_0 = arith.constant 0 : i32
    return %arg0, %c0_i32 : i32, i32
  }
  func.func @transform_4(%arg0: i32) -> (i32, i32) {
    %c0_i32 = arith.constant 0 : i32
    %c0_i32_0 = arith.constant 0 : i32
    %c0_i32_1 = arith.constant 0 : i32
    return %c0_i32, %c0_i32_0 : i32, i32
  }
  func.func @transform_5(%arg0: i32) -> (i32, i32) {
    %c0_i32 = arith.constant 0 : i32
    %c0_i32_0 = arith.constant 0 : i32
    %c0_i32_1 = arith.constant 0 : i32
    return %c0_i32, %c0_i32_0 : i32, i32
  }
  func.func @transform_6(%arg0: i32) -> (i32, i32) {
    %c0_i32 = arith.constant 0 : i32
    %c0_i32_0 = arith.constant 0 : i32
    return %arg0, %c0_i32 : i32, i32
  }
}

</mosaic_0001>

<sc_bundles>
// kernel: kernel.11.cloned.1.call-start
scs
__scs_entry_jumppad:
0x0: {  	(pc) =	sbr.rel $0x88, $3  }
0x1: {  	(tag) =	ssettag $0x0;
	lr =	simm.s32 $0x1  }
0x2: {  	[smem:$0x3F9B] =	sst lr;
	_ =	strace $0xD0000000  }
0x3: {  	_ = 	snop  }
0x4: {  	_ = 	snop  }
0x5: {  	_ = 	snop  }
0x6: {  	_ = 	snop  }
0x7: {  	_ = 	snop  }
__scs_overlays_trampoline_lowered:
0x8: {  	[smem:$0x3FAA] =	sst s0  }
0x9: {  	[smem:$0x3FAB] =	sst s1  }
0xa: {  	[smem:$0x3FAC] =	sst s2  }
0xb: {  	[smem:$0x3FAD] =	sst s3  }
0xc: {  	[smem:$0x3FAE] =	sst s4  }
0xd: {  	[smem:$0x3FAF] =	sst s5  }
0xe: {  	[smem:$0x3FB0] =	sst s6  }
0xf: {  	[smem:$0x3FB1] =	sst s7  }
0x10: {  	[smem:$0x3FB2] =	sst s8  }
0x11: {  	[smem:$0x3FB3] =	sst s9;
	s0 =	simm.s32 @!p0 $0x0  }
0x12: {  	s1 =	sld [smem:$0x3F99];
	s0 =	simm.s32 @p0 $0x1  }
0x13: {  	[smem:$0x3FB4] =	sst s0;
	s0 =	simm.s32 @!p1 $0x0  }
0x14: {  	s2 =	sld [smem:$0x3F98];
	s0 =	simm.s32 @p1 $0x1  }
0x15: {  	[smem:$0x3FB5] =	sst s0;
	s0 =	simm.s32 @!p2 $0x0  }
0x16: {  	s3 =	sld [smem:$0x3FDB];
	s0 =	simm.s32 @p2 $0x1  }
0x17: {  	s4 =	simm.s32 $0x1BF5;
	[smem:$0x3FB7] =	sst s0  }
0x18: {  	s0 =	sld [smem:$0x3F9A];
	_ =	swait.ge [sflag:s4], $0x0  }
0x19: {  	s7 =	sld [smem:$0x3F9B]  }
0x1a: {  	s8 =	sadd.s32 $0xFFFFE003, lr  }
0x1b: {  	s9 =	sadd.s32 $0xFFFFFEF7, lr;
	s5 =	simm.s32 $0xFFFFFFFF;
	p2 =	slt.u32 s8, $0xFFFFF086  }
0x1c: {  	p1 =	slt.u32 s9, $0xF7A;
	s5 =	simm.s32 @!p2 $0x0  }
0x1d: {  	s5 =	simm.s32 @p1 $0x1;
	p0 =	seq.s32 s7, s2  }
0x1e: {  	s7 =	smul.u32 @!p0 $0xF7A, s2;
	p2 =	seq.s32 @!p0 s5, $0x0  }
0x1f: {  	s9 =	smul.u32 $0xF7A, s1;
	s8 =	simm.s32 @!p0 $0x1BF5;
	p2 =	por !p2, p0  }
0x20: {  	[sflag:s8] =	ssyncset.s32 @!p0 $0xFFFFF086;
	s6 =	sadd.s32 @!p0 s3, s7;
	s7 =	simm.s32 @!p0 $0x108  }
0x21: {  	s3 =	sadd.s32 s3, s9;
	s6 =	sadd.s32 @!p0 $0x88, s6;
	s7 =	simm.s32 @p2 $0x1082  }
0x22: {  	[simem:s7], [sflag:s8] =	dma.local @!p0 [hbm:s6], $0xF7A  }
0x23: {  	s9 =	sor.u32 $0xD0000000, s2;
	s6 =	simm.s32 $0x108;
	_ =	swait.ge @!p0 [sflag:s8], $0x0  }
0x24: {  	s3 =	sadd.s32 $0x88, s3;
	s6 =	simm.s32 @!p1 $0x1082;
	[sflag:s4] =	ssyncset.s32 $0xFFFFF086  }
0x25: {  	[simem:s6], [sflag:s4] =	dma.local [hbm:s3], $0xF7A  }
0x26: {  	[smem:$0x3F9B] =	sst s1;
	(tag) =	ssettag s2;
	_ =	strace s9  }
0x27: {  	s1 =	sld [smem:$0x3FAB]  }
0x28: {  	s2 =	sld [smem:$0x3FAC]  }
0x29: {  	s4 =	sld [smem:$0x3FAE]  }
0x2a: {  	p0 =	seq.s32 s5, $0x0;
	s5 =	sld [smem:$0x3FAF]  }
0x2b: {  	s6 =	sld [smem:$0x3FB0]  }
0x2c: {  	s7 =	sld [smem:$0x3FB1]  }
0x2d: {  	s3 =	simm.s32 $0x108;
	s8 =	sld [smem:$0x3FB2]  }
0x2e: {  	s3 =	simm.s32 @!p0 $0x1082;
	s9 =	sld [smem:$0x3FB3]  }
0x2f: {  	lr =	sadd.s32 s0, s3;
	s0 =	sld [smem:$0x3FAA]  }
0x30: {  	s3 =	sld [smem:$0x3FAD]  }
0x31: {  	[smem:$0x3FB6] =	sst s10  }
0x32: {  	s10 =	sld [smem:$0x3FB4];
	_ =	sdelay $0x3  }
0x33: {  	p0 =	seq.s32 s10, $0x1;
	s10 =	sld [smem:$0x3FB6];
	_ =	sdelay $0x3  }
0x34: {  	[smem:$0x3FB6] =	sst s10  }
0x35: {  	s10 =	sld [smem:$0x3FB5];
	_ =	sdelay $0x3  }
0x36: {  	p1 =	seq.s32 s10, $0x1;
	s10 =	sld [smem:$0x3FB6];
	_ =	sdelay $0x3  }
0x37: {  	[smem:$0x3FB6] =	sst s10  }
0x38: {  	s10 =	sld [smem:$0x3FB7]  }
0x39: {  	_ = 	snop;
	(pc) =	sbr.ind lr, $3  }
0x3a: {  	_ = 	snop  }
0x3b: {  	_ = 	snop  }
0x3c: {  	p2 =	seq.s32 s10, $0x1;
	s10 =	sld [smem:$0x3FB6]  }
0x3d: {  	_ =	shalt  }
0x3e: {  	_ =	shalt  }
0x3f: {  	_ =	shalt  }
0x40: {  	_ =	shalt  }
0x41: {  	_ =	shalt  }
0x42: {  	_ =	shalt  }
0x43: {  	_ =	shalt  }
0x44: {  	_ =	shalt  }
0x45: {  	_ =	shalt  }
0x46: {  	_ =	shalt  }
0x47: {  	_ =	shalt  }
0x48: {  	_ =	shalt  }
0x49: {  	_ =	shalt  }
0x4a: {  	_ =	shalt  }
0x4b: {  	_ =	shalt  }
0x4c: {  	_ =	shalt  }
0x4d: {  	_ =	shalt  }
0x4e: {  	_ =	shalt  }
0x4f: {  	_ =	shalt  }
0x50: {  	_ =	shalt  }
0x51: {  	_ =	shalt  }
0x52: {  	_ =	shalt  }
0x53: {  	_ =	shalt  }
0x54: {  	_ =	shalt  }
0x55: {  	_ =	shalt  }
0x56: {  	_ =	shalt  }
0x57: {  	_ =	shalt  }
0x58: {  	_ =	shalt  }
0x59: {  	_ =	shalt  }
0x5a: {  	_ =	shalt  }
0x5b: {  	_ =	shalt  }
0x5c: {  	_ =	shalt  }
0x5d: {  	_ =	shalt  }
0x5e: {  	_ =	shalt  }
0x5f: {  	_ =	shalt  }
0x60: {  	_ =	shalt  }
0x61: {  	_ =	shalt  }
0x62: {  	_ =	shalt  }
0x63: {  	_ =	shalt  }
0x64: {  	_ =	shalt  }
0x65: {  	_ =	shalt  }
0x66: {  	_ =	shalt  }
0x67: {  	_ =	shalt  }
0x68: {  	_ =	shalt  }
0x69: {  	_ =	shalt  }
0x6a: {  	_ =	shalt  }
0x6b: {  	_ =	shalt  }
0x6c: {  	_ =	shalt  }
0x6d: {  	_ =	shalt  }
0x6e: {  	_ =	shalt  }
0x6f: {  	_ =	shalt  }
0x70: {  	_ =	shalt  }
0x71: {  	_ =	shalt  }
0x72: {  	_ =	shalt  }
0x73: {  	_ =	shalt  }
0x74: {  	_ =	shalt  }
0x75: {  	_ =	shalt  }
0x76: {  	_ =	shalt  }
0x77: {  	_ =	shalt  }
0x78: {  	_ =	shalt  }
0x79: {  	_ =	shalt  }
0x7a: {  	_ =	shalt  }
0x7b: {  	_ =	shalt  }
0x7c: {  	_ =	shalt  }
0x7d: {  	_ =	shalt  }
0x7e: {  	_ =	shalt  }
0x7f: {  	_ =	shalt  }
0x80: {  	_ =	shalt  }
0x81: {  	_ =	shalt  }
0x82: {  	_ =	shalt  }
0x83: {  	_ =	shalt  }
0x84: {  	_ =	shalt  }
0x85: {  	_ =	shalt  }
0x86: {  	_ =	shalt  }
0x87: {  	_ =	shalt  }
.Lfunc_end0:
.L_simem_size_0:
called_computation.1_lowered:
.L_overlay_start_0:
0x88: {  	s2 =	sld [smem:$0x3FD9]  }
0x89: {  	s3 =	sld [smem:$0x3FFE];
	_ =	sdelay $0x1  }
0x8a: {  	s1 =	srdreg.scid  }
0x8b: {  	s0 =	sand.u32 $0x1, s1  }
0x8c: {  	s17 =	sshll.u32 s0, $0xA;
	s2 =	sadd.s32 s3, s2  }
0x8d: {  	s2 =	sadd.s32 s2, s17  }
0x8e: {  	[smem:$0x3FC2] =	sst s2  }
0x8f: {  	_ = 	snop  }
0x90: {  	s2 =	sld [smem:$0x3FD0];
	(tm) =	ssettm $0x1  }
0x91: {  	s18 =	sld [smem:$0x3FFB];
	_ =	sdelay $0x3  }
0x92: {  	_ =	strace s18  }
0x93: {  	s3 =	sld [smem:$0x3FFC];
	_ =	sdelay $0x3  }
0x94: {  	_ =	strace s3  }
0x95: {  	s3 =	sld [smem:$0x3FFD];
	_ =	sdelay $0x3  }
0x96: {  	_ =	strace s3  }
0x97: {  	_ =	strace $0x8FFFFFFF  }
0x98: {  	s19 =	sld [smem:$0x3FDB];
	_ =	sdelay $0x1  }
0x99: {  	s4 =	simm.s32 $_scs_section_size  }
0x9a: {  	s5 =	simm.s32 $_size__tile_overlayer_lowered;
	s6 =	simm.s32 $_tile_overlayer_lowered  }
0x9b: {  	s22 =	simm.s32 $0x1BFF;
	s21 =	sshll.u32 s6, $0x1;
	s3 =	sadd.s32 s4, s19  }
0x9c: {  	s7 =	simm.s32 $0x0;
	s20 =	sshll.u32 s5, $0x1;
	s5 =	sadd.s32 s21, s3  }
0x9d: {  	[timem:s7], [sflag:s22] =	dma.local [hbm:s5], s20  }
0x9e: {  	_ =	swait.ge [sflag:s22], s20  }
0x9f: {  	s4 =	ssub.s32 $0x0, s20;
	[sflag:s22] =	ssyncset.done $0x0  }
0xa0: {  	[sflag:s22] =	ssyncadd.s32 s4;
	_ =	sdelay $0x1  }
0xa1: {  	s23 =	simm.s32 $0x1B8B  }
0xa2: {  	_ =	swait.ge [sflag:s23], $0x1  }
0xa3: {  	[sflag:s23] =	ssyncset.done $0x0  }
0xa4: {  	s25 =	simm.s32 $0x1B8E;
	s24 =	sld [smem:$0x3FFE];
	[sflag:s23] =	ssyncadd.s32 $0xFFFFFFFF  }
0xa5: {  	s26 =	simm.s32 $execute0_lowered;
	[smem:$0x3FD2] =	sst s25  }
0xa6: {  	s5 =	sshll.u32 s26, $0x1;
	_ =	strace $0x80000049;
	[dreg:$0x1] =	wrdreg $0xFFFFFFFF  }
0xa7: {  	s28 =	simm.s32 $_size_execute0_lowered;
	s3 =	sadd.s32 s3, s5;
	[dreg:$0x0] =	wrdreg $0x0  }
0xa8: {  	s5 =	sshll.u32 s28, $0x1;
	[dreg:$0x2] =	wrdreg s3  }
0xa9: {  	[dreg:$0x3] =	wrdreg s5  }
0xaa: {  	[dreg:$0x4] =	wrdreg $0xC0  }
0xab: {  	_ =	task [dreg:s7], $0x5FFFF  }
0xac: {  	[dreg:$0x1] =	wrdreg $0xFFFFFFFF  }
0xad: {  	[dreg:$0x0] =	wrdreg $0x60  }
0xae: {  	[dreg:$0x2] =	wrdreg s24  }
0xaf: {  	[dreg:$0x3] =	wrdreg s2  }
0xb0: {  	[dreg:$0x4] =	wrdreg $0xA1800  }
0xb1: {  	[dreg:$0x5] =	wrdreg $0x9  }
0xb2: {  	_ =	task.clear_ibuf [dreg:s7], $0x6FFFF;
	_ =	strace $0x90000049  }
0xb3: {  	s29 =	simm.s32 $0x9;
	_ =	strace $0x8000004B  }
0xb4: {  	_ =	swait.ge [sflag:s29], $0x1  }
0xb5: {  	[sflag:s29] =	ssyncadd.s32 $0xFFFFFFFF  }
0xb6: {  	_ =	strace $0x9000004B  }
0xb7: {  	_ =	sfence  }
0xb8: {  	s30 =	sld [smem:$0x0];
	_ =	sdelay $0x2  }
0xb9: {  	s31 =	sshll.u32 s1, $0xD;
	s1 =	sshrl.u32 s1, $0x2  }
0xba: {  	s3 =	sand.u32 $0x4000, s31;
	s1 =	sadd.s32 s1, s30  }
0xbb: {  	s0 =	sor.u32 s3, s0;
	s1 =	sshll.u32 s1, $0x11  }
0xbc: {  	s0 =	sor.u32 s1, s0  }
0xbd: {  	s0 =	sadd.s32 $0x8F2B, s0  }
0xbe: {  	[sflag:s0] =	ssyncadd.remote.s32 $0x1  }
0xbf: {  	_ =	sfence.sel $0xFFFF  }
0xc0: {  	[dreg:$0x0] =	wrdreg $0xFFFFFFFF;
	(pc) =	sbr.abs _section_cstart, $3  }
0xc1: {  	[dreg:$0x1] =	wrdreg $0xFFFFFFFF  }
0xc2: {  	_ =	task.clear_ibuf [dreg:s7], $0x2FFFF;
	_ =	strace $0x9FFFFFFF  }
0xc3: {  	(tm) =	ssettm $0x7FFFFFFF  }
tec
execute0_lowered:
.L_overlay_start_1:
0x0: {  	(tag) =	ssettag $0x1  }
0x1: {  	s6 =	rddreg [dreg:$0x0]  }
0x2: {  	s2 =	rddreg [dreg:$0x1]  }
0x3: {  	s0 =	srdreg.scid;
	s3 =	rddreg [dreg:$0x2];
	s15 =	simm.s32 $0x50  }
0x4: {  	s16 =	simm.s32 $0x0;
	s5 =	sand.u32 $0x1, s0;
	s0 =	stileid.u32  }
0x5: {  	s1 =	sshll.u32 s5, $0x4;
	s4 =	sshll.u32 s0, $0x7;
	s26 =	smul.u32 $0x14000, s0  }
0x6: {  	s9 =	smul.u32 $0x140000, s5;
	s10 =	sshll.u32 s5, $0xF;
	s5 =	ssub.s32 $0x2, s5  }
0x7: {  	s28 =	smul.u32 $0x50000, s0;
	s31 =	sshll.u32 s0, $0xB;
	s13 =	sshll.u32 s0, $0x6  }
0x8: {  	s1 =	sor.u32 s0, s1;
	s8 =	sand.u32 $0x380, s4;
	s4 =	simm.s32 $0x0  }
0x9: {  	s10 =	sadd.s32 s10, s6;
	s29 =	sshrl.u32 s5, $0x1;
	s13 =	sor.u32 $0x1C07, s13  }
0xa: {  	s1 =	sshrl.u32 s1, $0x3;
	[smem:$0x7FF] =	sst s4;
	s11 =	sshrl.u32 s26, $0x3  }
0xb: {  	s12 =	ssub.s32 s5, s29;
	s30 =	sshrl.u32 s28, $0x2;
	s7 =	smul.u32 $0x13C00, s1  }
0xc: {  	s1 =	rddreg [dreg:$0x3];
	_ =	strace $0x8000004A;
	s14 =	sadd.s32 s30, s3  }
0xd: {  	s11 =	sadd.s32 s11, s6;
	s14 =	sshrl.u32 s14, $0x3;
	s7 =	sor.u32 s8, s7  }
.Ltmp0:
0xe: {  	s8 =	sadd.s32 s26, s9;
	s9 =	sadd.s32 s31, s10;
	(pc) =	sbr.rel .LBB2_1-.Ltmp0, $4  }
0xf: {  	s10 =	simm.s32 $0x80;
	s7 =	sshrl.u32 s7, $0x3;
	s8 =	sshrl.u32 s8, $0x3  }
0x10: {  	s9 =	sadd.s32 $0x2000, s9;
	s7 =	sadd.s32 s7, s6;
	s8 =	sadd.s32 s8, s6  }
0x11: {  	s6 =	sadd.s32 $0x1C600, s11;
	s11 =	simm.s32 $0x400;
	s5 =	sadd.s32 $0x12800, s7  }
0x12: {  	s7 =	sadd.s32 $0x44600, s8;
	s8 =	smax.u32 s12, $0x1;
	s12 =	simm.s32 $0x7  }
.LBB2_5:
0x13: {  	s16 =	sadd.s32 $0x1, s16  }
0x14: {  	p0 =	sne.s32 s16, s8  }
.Ltmp1:
0x15: {  	[bflag:$0x0] =	sbarrier.arrive $0xFFFF;
	(pc) =	sbr.rel @!p0 .LBB2_6-.Ltmp1, $4  }
0x16: {  	[hbm:s7], [sflag:s13] =	dma.local [spmem:s14], $0x2800  }
0x17: {  	_ =	swait.ge [sflag:s12], $0x2800  }
0x18: {  	[sflag:s12] =	ssyncset.done $0x0  }
0x19: {  	[sflag:s12] =	ssyncadd.s32 $0xFFFFD800  }
.LBB2_1:
0x1a: {  	[tilespmem:s4], [sflag:$0x7] =	stream.strided.gather [hbm4b:s5+s10], $0x2780, s11, s10, $0x38;
	[tilespmem:$0x1E180] =	vst v63  }
0x1b: {  	_ =	swait.ge [sflag:s12], $0x2780  }
0x1c: {  	[sflag:s12] =	ssyncset.done $0x0  }
0x1d: {  	[sflag:s12] =	ssyncadd.s32 $0xFFFFD880  }
0x1e: {  	[spmem:s14], [sflag:s13] =	dma.local [hbm:s6], $0x2800  }
.Ltmp2:
0x1f: {  	_ =	swait.ge [sflag:s12], $0x2800;
	(pc) =	sbr.rel .LBB2_2-.Ltmp2, $4  }
0x20: {  	[sflag:s12] =	ssyncset.done $0x0  }
0x21: {  	[sflag:s12] =	ssyncadd.s32 $0xFFFFD800  }
0x22: {  	[bflag:$0x0] =	sbarrier.arrive $0xFFFF  }
0x23: {  	s17 =	simm.s32 $0x0;
	s18 =	smov.u32 s9;
	s19 =	simm.s32 $0x0  }
.LBB2_4:
0x24: {  	s19 =	sadd.s32 $0x1, s19  }
0x25: {  	p0 =	sne.s32 s19, $0x7F  }
.Ltmp3:
0x26: {  	_ = 	snop;
	(pc) =	sbr.rel @!p0 .LBB2_5-.Ltmp3, $2  }
0x27: {  	_ =	sdelay $0x2  }
0x28: {  	s18 =	sadd.s32 $0x10, s18;
	s17 =	sadd.s32 $0x50, s17  }
.LBB2_2:
0x29: {  	p0 =	slt.u32 s19, $0x7D  }
0x2a: {  	s20 =	smul.u32 @p0 $0xAB, s19;
	_ =	sdelay $0x1  }
0x2b: {  	s20 =	sshrl.u32 @p0 s20, $0x9  }
0x2c: {  	s20 =	sand.u32 @p0 $0x7F, s20  }
0x2d: {  	s20 =	smul.u32 @p0 $0x3, s20;
	_ =	sdelay $0x1  }
0x2e: {  	s20 =	ssub.s32 @p0 s19, s20  }
0x2f: {  	s23 =	simm.s32 @p0 $0x0;
	p1 =	slt.u32 @p0 s19, $0x2;
	s20 =	sand.u32 @p0 $0xFF, s20  }
0x30: {  	p1 =	por !p0, !p1;
	s21 =	sshll.u32 @p0 s20, $0x7;
	s24 =	smul.u32 @p0 $0xA000, s20  }
.Ltmp4:
0x31: {  	s22 =	sor.u32 @p0 $0x4, s20;
	s21 =	sadd.s32 @p0 $0x2780, s21;
	(pc) =	sbr.rel @!p1 .LBB2_4-.Ltmp4, $4  }
0x32: {  	[tilespmem:s21], [sflag:s22] =	stream.linear.gather @p0 [hbm4b:s18+s23], $0x80, $0x38;
	[tilespmem:$0x1E180] =	vst v63  }
0x33: {  	s21 =	sshrl.u32 @p0 s24, $0x2  }
0x34: {  	s20 =	sadd.s32 @p0 $0x1, s20;
	s22 =	simm.s32 @p0 $0x50;
	s21 =	sadd.s32 @p0 $0x2980, s21  }
0x35: {  	[tilespmem:s21], [sflag:s20] =	stream.indirect.gather @p0 [hbm4b:s2+s22], $0x80, s17, s22, $0xb8;
	[tilespmem:$0x1E180] =	vst v63  }
0x36: {  	s20 =	smov.u32 s19  }
0x37: {  	s20 =	smov.u32 @p0 s19  }
0x38: {  	s20 =	sadd.s32 $0xFFFFFFFE, s20  }
0x39: {  	s21 =	sand.u32 $0xFF, s20  }
0x3a: {  	s21 =	smul.u32 $0xAB, s21;
	_ =	sdelay $0x1  }
0x3b: {  	s21 =	sshrl.u32 s21, $0x9  }
0x3c: {  	s21 =	smul.u32 $0x3, s21;
	_ =	sdelay $0x1  }
0x3d: {  	s20 =	ssub.s32 s20, s21  }
0x3e: {  	s20 =	sand.u32 $0xFF, s20  }
0x3f: {  	s30 =	sor.u32 $0x4, s20  }
0x40: {  	_ =	swait.ge [sflag:s30], $0x80  }
0x41: {  	[sflag:s30] =	ssyncset.done $0x0  }
0x42: {  	s31 =	sadd.s32 $0x1, s20;
	s22 =	smul.u32 $0xA000, s20;
	[sflag:s30] =	ssyncadd.s32 $0xFFFFFF80  }
0x43: {  	s20 =	sshll.u32 s20, $0x7;
	_ =	swait.ge [sflag:s31], $0x2800  }
0x44: {  	s20 =	sadd.s32 $0x2780, s20;
	s22 =	sshrl.u32 s22, $0x2;
	[sflag:s31] =	ssyncset.done $0x0  }
.Ltmp5:
0x45: {  	s22 =	sadd.s32 $0x2980, s22;
	[sflag:s31] =	ssyncadd.s32 $0xFFFFD800;
	(pc) =	sbr.rel .LBB2_4-.Ltmp5, $4  }
0x46: {  	[spmem:s3] =	stream.indirect.scatter.add.f32 [tilespmem:s22], [sflag:$0x7], $0x80, s20, s15, $0xb8;
	[tilespmem:$0x1E180] =	vst v63  }
0x47: {  	_ =	swait.ge [sflag:s12], $0x2800  }
0x48: {  	[sflag:s12] =	ssyncset.done $0x0  }
0x49: {  	[sflag:s12] =	ssyncadd.s32 $0xFFFFD800  }
.LBB2_6:
0x4a: {  	_ =	sfence.sel $0x180000  }
0x4b: {  	[bflag:$0x0] =	sbarrier.arrive $0xFFFF  }
0x4c: {  	p0 =	sne.s32 s0, $0x0;
	_ =	strace $0x9000004A  }
0x4d: {  	s0 =	sadd.s32 @!p0 $0x100000, s1;
	[bflag:$0x2] =	sbarrier.arrive $0xFFFF  }
0x4e: {  	[sflag:s0] =	ssyncadd.tile.s32 @!p0 $0x1;
	_ =	shalt  }
.Lfunc_end2:
_tile_overlayer_lowered:
.L_overlay_start_2:
0x4f: {  	(tag) =	ssettag $0x2  }
0x50: {  	s0 =	rddreg [dreg:$0x0];
	s2 =	stileid.u32  }
0x51: {  	s1 =	rddreg [dreg:$0x1];
	p0 =	sne.s32 s2, $0x0  }
0x52: {  	s3 =	rddreg [dreg:$0x2];
	[bflag:$0x3] =	sbarrier.arrive $0xFFFF;
	s2 =	simm.s32 @!p0 $0x1C07  }
0x53: {  	[timem:s3], [sflag:s2] =	dma.local @!p0 [hbm:s0], s1  }
0x54: {  	s0 =	simm.s32 @!p0 $0x7  }
0x55: {  	_ =	swait.ge @!p0 [sflag:s0], s1  }
0x56: {  	s1 =	ssub.s32 @!p0 $0x0, s1;
	[sflag:s0] =	ssyncset.done @!p0 $0x0  }
0x57: {  	[sflag:s0] =	ssyncadd.s32 @!p0 s1  }
0x58: {  	[bflag:$0x3] =	sbarrier.arrive $0xFFFF  }
0x59: {  	_ =	shalt  }

// kernel: kernel.14.cloned.1.call-start
scs
__scs_entry_jumppad:
0x0: {  	(pc) =	sbr.rel $0x88, $3  }
0x1: {  	(tag) =	ssettag $0x0;
	lr =	simm.s32 $0x1  }
0x2: {  	[smem:$0x3F9B] =	sst lr;
	_ =	strace $0xD0000000  }
0x3: {  	_ = 	snop  }
0x4: {  	_ = 	snop  }
0x5: {  	_ = 	snop  }
0x6: {  	_ = 	snop  }
0x7: {  	_ = 	snop  }
__scs_overlays_trampoline_lowered:
0x8: {  	[smem:$0x3FAA] =	sst s0  }
0x9: {  	[smem:$0x3FAB] =	sst s1  }
0xa: {  	[smem:$0x3FAC] =	sst s2  }
0xb: {  	[smem:$0x3FAD] =	sst s3  }
0xc: {  	[smem:$0x3FAE] =	sst s4  }
0xd: {  	[smem:$0x3FAF] =	sst s5  }
0xe: {  	[smem:$0x3FB0] =	sst s6  }
0xf: {  	[smem:$0x3FB1] =	sst s7  }
0x10: {  	[smem:$0x3FB2] =	sst s8  }
0x11: {  	[smem:$0x3FB3] =	sst s9;
	s0 =	simm.s32 @!p0 $0x0  }
0x12: {  	s1 =	sld [smem:$0x3F99];
	s0 =	simm.s32 @p0 $0x1  }
0x13: {  	[smem:$0x3FB4] =	sst s0;
	s0 =	simm.s32 @!p1 $0x0  }
0x14: {  	s2 =	sld [smem:$0x3F98];
	s0 =	simm.s32 @p1 $0x1  }
0x15: {  	[smem:$0x3FB5] =	sst s0;
	s0 =	simm.s32 @!p2 $0x0  }
0x16: {  	s3 =	sld [smem:$0x3FDB];
	s0 =	simm.s32 @p2 $0x1  }
0x17: {  	s4 =	simm.s32 $0x1BF5;
	[smem:$0x3FB7] =	sst s0  }
0x18: {  	s0 =	sld [smem:$0x3F9A];
	_ =	swait.ge [sflag:s4], $0x0  }
0x19: {  	s7 =	sld [smem:$0x3F9B]  }
0x1a: {  	s8 =	sadd.s32 $0xFFFFE003, lr  }
0x1b: {  	s9 =	sadd.s32 $0xFFFFFEF7, lr;
	s5 =	simm.s32 $0xFFFFFFFF;
	p2 =	slt.u32 s8, $0xFFFFF086  }
0x1c: {  	p1 =	slt.u32 s9, $0xF7A;
	s5 =	simm.s32 @!p2 $0x0  }
0x1d: {  	s5 =	simm.s32 @p1 $0x1;
	p0 =	seq.s32 s7, s2  }
0x1e: {  	s7 =	smul.u32 @!p0 $0xF7A, s2;
	p2 =	seq.s32 @!p0 s5, $0x0  }
0x1f: {  	s9 =	smul.u32 $0xF7A, s1;
	s8 =	simm.s32 @!p0 $0x1BF5;
	p2 =	por !p2, p0  }
0x20: {  	[sflag:s8] =	ssyncset.s32 @!p0 $0xFFFFF086;
	s6 =	sadd.s32 @!p0 s3, s7;
	s7 =	simm.s32 @!p0 $0x108  }
0x21: {  	s3 =	sadd.s32 s3, s9;
	s6 =	sadd.s32 @!p0 $0x88, s6;
	s7 =	simm.s32 @p2 $0x1082  }
0x22: {  	[simem:s7], [sflag:s8] =	dma.local @!p0 [hbm:s6], $0xF7A  }
0x23: {  	s9 =	sor.u32 $0xD0000000, s2;
	s6 =	simm.s32 $0x108;
	_ =	swait.ge @!p0 [sflag:s8], $0x0  }
0x24: {  	s3 =	sadd.s32 $0x88, s3;
	s6 =	simm.s32 @!p1 $0x1082;
	[sflag:s4] =	ssyncset.s32 $0xFFFFF086  }
0x25: {  	[simem:s6], [sflag:s4] =	dma.local [hbm:s3], $0xF7A  }
0x26: {  	[smem:$0x3F9B] =	sst s1;
	(tag) =	ssettag s2;
	_ =	strace s9  }
0x27: {  	s1 =	sld [smem:$0x3FAB]  }
0x28: {  	s2 =	sld [smem:$0x3FAC]  }
0x29: {  	s4 =	sld [smem:$0x3FAE]  }
0x2a: {  	p0 =	seq.s32 s5, $0x0;
	s5 =	sld [smem:$0x3FAF]  }
0x2b: {  	s6 =	sld [smem:$0x3FB0]  }
0x2c: {  	s7 =	sld [smem:$0x3FB1]  }
0x2d: {  	s3 =	simm.s32 $0x108;
	s8 =	sld [smem:$0x3FB2]  }
0x2e: {  	s3 =	simm.s32 @!p0 $0x1082;
	s9 =	sld [smem:$0x3FB3]  }
0x2f: {  	lr =	sadd.s32 s0, s3;
	s0 =	sld [smem:$0x3FAA]  }
0x30: {  	s3 =	sld [smem:$0x3FAD]  }
0x31: {  	[smem:$0x3FB6] =	sst s10  }
0x32: {  	s10 =	sld [smem:$0x3FB4];
	_ =	sdelay $0x3  }
0x33: {  	p0 =	seq.s32 s10, $0x1;
	s10 =	sld [smem:$0x3FB6];
	_ =	sdelay $0x3  }
0x34: {  	[smem:$0x3FB6] =	sst s10  }
0x35: {  	s10 =	sld [smem:$0x3FB5];
	_ =	sdelay $0x3  }
0x36: {  	p1 =	seq.s32 s10, $0x1;
	s10 =	sld [smem:$0x3FB6];
	_ =	sdelay $0x3  }
0x37: {  	[smem:$0x3FB6] =	sst s10  }
0x38: {  	s10 =	sld [smem:$0x3FB7]  }
0x39: {  	_ = 	snop;
	(pc) =	sbr.ind lr, $3  }
0x3a: {  	_ = 	snop  }
0x3b: {  	_ = 	snop  }
0x3c: {  	p2 =	seq.s32 s10, $0x1;
	s10 =	sld [smem:$0x3FB6]  }
0x3d: {  	_ =	shalt  }
0x3e: {  	_ =	shalt  }
0x3f: {  	_ =	shalt  }
0x40: {  	_ =	shalt  }
0x41: {  	_ =	shalt  }
0x42: {  	_ =	shalt  }
0x43: {  	_ =	shalt  }
0x44: {  	_ =	shalt  }
0x45: {  	_ =	shalt  }
0x46: {  	_ =	shalt  }
0x47: {  	_ =	shalt  }
0x48: {  	_ =	shalt  }
0x49: {  	_ =	shalt  }
0x4a: {  	_ =	shalt  }
0x4b: {  	_ =	shalt  }
0x4c: {  	_ =	shalt  }
0x4d: {  	_ =	shalt  }
0x4e: {  	_ =	shalt  }
0x4f: {  	_ =	shalt  }
0x50: {  	_ =	shalt  }
0x51: {  	_ =	shalt  }
0x52: {  	_ =	shalt  }
0x53: {  	_ =	shalt  }
0x54: {  	_ =	shalt  }
0x55: {  	_ =	shalt  }
0x56: {  	_ =	shalt  }
0x57: {  	_ =	shalt  }
0x58: {  	_ =	shalt  }
0x59: {  	_ =	shalt  }
0x5a: {  	_ =	shalt  }
0x5b: {  	_ =	shalt  }
0x5c: {  	_ =	shalt  }
0x5d: {  	_ =	shalt  }
0x5e: {  	_ =	shalt  }
0x5f: {  	_ =	shalt  }
0x60: {  	_ =	shalt  }
0x61: {  	_ =	shalt  }
0x62: {  	_ =	shalt  }
0x63: {  	_ =	shalt  }
0x64: {  	_ =	shalt  }
0x65: {  	_ =	shalt  }
0x66: {  	_ =	shalt  }
0x67: {  	_ =	shalt  }
0x68: {  	_ =	shalt  }
0x69: {  	_ =	shalt  }
0x6a: {  	_ =	shalt  }
0x6b: {  	_ =	shalt  }
0x6c: {  	_ =	shalt  }
0x6d: {  	_ =	shalt  }
0x6e: {  	_ =	shalt  }
0x6f: {  	_ =	shalt  }
0x70: {  	_ =	shalt  }
0x71: {  	_ =	shalt  }
0x72: {  	_ =	shalt  }
0x73: {  	_ =	shalt  }
0x74: {  	_ =	shalt  }
0x75: {  	_ =	shalt  }
0x76: {  	_ =	shalt  }
0x77: {  	_ =	shalt  }
0x78: {  	_ =	shalt  }
0x79: {  	_ =	shalt  }
0x7a: {  	_ =	shalt  }
0x7b: {  	_ =	shalt  }
0x7c: {  	_ =	shalt  }
0x7d: {  	_ =	shalt  }
0x7e: {  	_ =	shalt  }
0x7f: {  	_ =	shalt  }
0x80: {  	_ =	shalt  }
0x81: {  	_ =	shalt  }
0x82: {  	_ =	shalt  }
0x83: {  	_ =	shalt  }
0x84: {  	_ =	shalt  }
0x85: {  	_ =	shalt  }
0x86: {  	_ =	shalt  }
0x87: {  	_ =	shalt  }
.Lfunc_end0:
.L_simem_size_0:
called_computation.2_lowered:
.L_overlay_start_0:
0x88: {  	s2 =	sld [smem:$0x3FD9]  }
0x89: {  	s3 =	sld [smem:$0x3FFE];
	_ =	sdelay $0x1  }
0x8a: {  	s1 =	srdreg.scid  }
0x8b: {  	s0 =	sand.u32 $0x1, s1  }
0x8c: {  	s17 =	sshll.u32 s0, $0xA;
	s2 =	sadd.s32 s3, s2  }
0x8d: {  	s2 =	sadd.s32 s2, s17  }
0x8e: {  	[smem:$0x3FC2] =	sst s2  }
0x8f: {  	_ = 	snop  }
0x90: {  	s2 =	sld [smem:$0x3FD0];
	(tm) =	ssettm $0x1  }
0x91: {  	s18 =	sld [smem:$0x3FFB];
	_ =	sdelay $0x3  }
0x92: {  	_ =	strace s18  }
0x93: {  	s3 =	sld [smem:$0x3FFC];
	_ =	sdelay $0x3  }
0x94: {  	_ =	strace s3  }
0x95: {  	s3 =	sld [smem:$0x3FFD];
	_ =	sdelay $0x3  }
0x96: {  	_ =	strace s3  }
0x97: {  	_ =	strace $0x8FFFFFFF  }
0x98: {  	s19 =	sld [smem:$0x3FDB];
	_ =	sdelay $0x1  }
0x99: {  	s4 =	simm.s32 $_scs_section_size  }
0x9a: {  	s5 =	simm.s32 $_size__tile_overlayer_lowered;
	s6 =	simm.s32 $_tile_overlayer_lowered  }
0x9b: {  	s22 =	simm.s32 $0x1BFF;
	s21 =	sshll.u32 s6, $0x1;
	s3 =	sadd.s32 s4, s19  }
0x9c: {  	s7 =	simm.s32 $0x0;
	s20 =	sshll.u32 s5, $0x1;
	s5 =	sadd.s32 s21, s3  }
0x9d: {  	[timem:s7], [sflag:s22] =	dma.local [hbm:s5], s20  }
0x9e: {  	_ =	swait.ge [sflag:s22], s20  }
0x9f: {  	s4 =	ssub.s32 $0x0, s20;
	[sflag:s22] =	ssyncset.done $0x0  }
0xa0: {  	[sflag:s22] =	ssyncadd.s32 s4;
	_ =	sdelay $0x1  }
0xa1: {  	s23 =	simm.s32 $0x1B8B  }
0xa2: {  	_ =	swait.ge [sflag:s23], $0x1  }
0xa3: {  	[sflag:s23] =	ssyncset.done $0x0  }
0xa4: {  	s25 =	simm.s32 $0x1B8E;
	s24 =	sld [smem:$0x3FFE];
	[sflag:s23] =	ssyncadd.s32 $0xFFFFFFFF  }
0xa5: {  	s26 =	simm.s32 $execute0_lowered;
	[smem:$0x3FD2] =	sst s25  }
0xa6: {  	s5 =	sshll.u32 s26, $0x1;
	_ =	strace $0x8000004C;
	[dreg:$0x1] =	wrdreg $0xFFFFFFFF  }
0xa7: {  	s28 =	simm.s32 $_size_execute0_lowered;
	s3 =	sadd.s32 s3, s5;
	[dreg:$0x0] =	wrdreg $0x0  }
0xa8: {  	s5 =	sshll.u32 s28, $0x1;
	[dreg:$0x2] =	wrdreg s3  }
0xa9: {  	[dreg:$0x3] =	wrdreg s5  }
0xaa: {  	[dreg:$0x4] =	wrdreg $0xC0  }
0xab: {  	_ =	task [dreg:s7], $0x5FFFF  }
0xac: {  	[dreg:$0x1] =	wrdreg $0xFFFFFFFF  }
0xad: {  	[dreg:$0x0] =	wrdreg $0x60  }
0xae: {  	[dreg:$0x2] =	wrdreg s24  }
0xaf: {  	[dreg:$0x3] =	wrdreg s2  }
0xb0: {  	[dreg:$0x4] =	wrdreg $0xA1800  }
0xb1: {  	[dreg:$0x5] =	wrdreg $0x9  }
0xb2: {  	_ =	task.clear_ibuf [dreg:s7], $0x6FFFF;
	_ =	strace $0x9000004C  }
0xb3: {  	s29 =	simm.s32 $0x9;
	_ =	strace $0x8000004E  }
0xb4: {  	_ =	swait.ge [sflag:s29], $0x1  }
0xb5: {  	[sflag:s29] =	ssyncadd.s32 $0xFFFFFFFF  }
0xb6: {  	_ =	strace $0x9000004E  }
0xb7: {  	_ =	sfence  }
0xb8: {  	s30 =	sld [smem:$0x0];
	_ =	sdelay $0x2  }
0xb9: {  	s31 =	sshll.u32 s1, $0xD;
	s1 =	sshrl.u32 s1, $0x2  }
0xba: {  	s3 =	sand.u32 $0x4000, s31;
	s1 =	sadd.s32 s1, s30  }
0xbb: {  	s0 =	sor.u32 s3, s0;
	s1 =	sshll.u32 s1, $0x11  }
0xbc: {  	s0 =	sor.u32 s1, s0  }
0xbd: {  	s0 =	sadd.s32 $0x8F2B, s0  }
0xbe: {  	[sflag:s0] =	ssyncadd.remote.s32 $0x1  }
0xbf: {  	_ =	sfence.sel $0xFFFF  }
0xc0: {  	[dreg:$0x0] =	wrdreg $0xFFFFFFFF;
	(pc) =	sbr.abs _section_cstart, $3  }
0xc1: {  	[dreg:$0x1] =	wrdreg $0xFFFFFFFF  }
0xc2: {  	_ =	task.clear_ibuf [dreg:s7], $0x2FFFF;
	_ =	strace $0x9FFFFFFF  }
0xc3: {  	(tm) =	ssettm $0x7FFFFFFF  }
tec
execute0_lowered:
.L_overlay_start_1:
0x0: {  	(tag) =	ssettag $0x1  }
0x1: {  	s6 =	rddreg [dreg:$0x0]  }
0x2: {  	s2 =	rddreg [dreg:$0x1]  }
0x3: {  	s0 =	srdreg.scid;
	s3 =	rddreg [dreg:$0x2];
	s15 =	simm.s32 $0x50  }
0x4: {  	s16 =	simm.s32 $0x0;
	s5 =	sand.u32 $0x1, s0;
	s0 =	stileid.u32  }
0x5: {  	s1 =	sshll.u32 s5, $0x4;
	s4 =	sshll.u32 s0, $0x7;
	s26 =	smul.u32 $0x14000, s0  }
0x6: {  	s9 =	smul.u32 $0x140000, s5;
	s10 =	sshll.u32 s5, $0xF;
	s5 =	ssub.s32 $0x2, s5  }
0x7: {  	s28 =	smul.u32 $0x50000, s0;
	s31 =	sshll.u32 s0, $0xB;
	s13 =	sshll.u32 s0, $0x6  }
0x8: {  	s1 =	sor.u32 s0, s1;
	s8 =	sand.u32 $0x380, s4;
	s4 =	simm.s32 $0x0  }
0x9: {  	s10 =	sadd.s32 s10, s6;
	s29 =	sshrl.u32 s5, $0x1;
	s13 =	sor.u32 $0x1C07, s13  }
0xa: {  	s1 =	sshrl.u32 s1, $0x3;
	[smem:$0x7FF] =	sst s4;
	s11 =	sshrl.u32 s26, $0x3  }
0xb: {  	s12 =	ssub.s32 s5, s29;
	s30 =	sshrl.u32 s28, $0x2;
	s7 =	smul.u32 $0x13C00, s1  }
0xc: {  	s1 =	rddreg [dreg:$0x3];
	_ =	strace $0x8000004D;
	s14 =	sadd.s32 s30, s3  }
0xd: {  	s11 =	sadd.s32 s11, s6;
	s14 =	sshrl.u32 s14, $0x3;
	s7 =	sor.u32 s8, s7  }
.Ltmp0:
0xe: {  	s8 =	sadd.s32 s26, s9;
	s9 =	sadd.s32 s31, s10;
	(pc) =	sbr.rel .LBB2_1-.Ltmp0, $4  }
0xf: {  	s10 =	simm.s32 $0x80;
	s7 =	sshrl.u32 s7, $0x3;
	s8 =	sshrl.u32 s8, $0x3  }
0x10: {  	s9 =	sadd.s32 $0x2000, s9;
	s7 =	sadd.s32 s7, s6;
	s8 =	sadd.s32 s8, s6  }
0x11: {  	s6 =	sadd.s32 $0x1C600, s11;
	s11 =	simm.s32 $0x400;
	s5 =	sadd.s32 $0x12800, s7  }
0x12: {  	s7 =	sadd.s32 $0x44600, s8;
	s8 =	smax.u32 s12, $0x1;
	s12 =	simm.s32 $0x7  }
.LBB2_5:
0x13: {  	s16 =	sadd.s32 $0x1, s16  }
0x14: {  	p0 =	sne.s32 s16, s8  }
.Ltmp1:
0x15: {  	[bflag:$0x0] =	sbarrier.arrive $0xFFFF;
	(pc) =	sbr.rel @!p0 .LBB2_6-.Ltmp1, $4  }
0x16: {  	[hbm:s7], [sflag:s13] =	dma.local [spmem:s14], $0x2800  }
0x17: {  	_ =	swait.ge [sflag:s12], $0x2800  }
0x18: {  	[sflag:s12] =	ssyncset.done $0x0  }
0x19: {  	[sflag:s12] =	ssyncadd.s32 $0xFFFFD800  }
.LBB2_1:
0x1a: {  	[tilespmem:s4], [sflag:$0x7] =	stream.strided.gather [hbm4b:s5+s10], $0x2780, s11, s10, $0x38;
	[tilespmem:$0x1E180] =	vst v63  }
0x1b: {  	_ =	swait.ge [sflag:s12], $0x2780  }
0x1c: {  	[sflag:s12] =	ssyncset.done $0x0  }
0x1d: {  	[sflag:s12] =	ssyncadd.s32 $0xFFFFD880  }
0x1e: {  	[spmem:s14], [sflag:s13] =	dma.local [hbm:s6], $0x2800  }
.Ltmp2:
0x1f: {  	_ =	swait.ge [sflag:s12], $0x2800;
	(pc) =	sbr.rel .LBB2_2-.Ltmp2, $4  }
0x20: {  	[sflag:s12] =	ssyncset.done $0x0  }
0x21: {  	[sflag:s12] =	ssyncadd.s32 $0xFFFFD800  }
0x22: {  	[bflag:$0x0] =	sbarrier.arrive $0xFFFF  }
0x23: {  	s17 =	simm.s32 $0x0;
	s18 =	smov.u32 s9;
	s19 =	simm.s32 $0x0  }
.LBB2_4:
0x24: {  	s19 =	sadd.s32 $0x1, s19  }
0x25: {  	p0 =	sne.s32 s19, $0x7F  }
.Ltmp3:
0x26: {  	_ = 	snop;
	(pc) =	sbr.rel @!p0 .LBB2_5-.Ltmp3, $2  }
0x27: {  	_ =	sdelay $0x2  }
0x28: {  	s18 =	sadd.s32 $0x10, s18;
	s17 =	sadd.s32 $0x50, s17  }
.LBB2_2:
0x29: {  	p0 =	slt.u32 s19, $0x7D  }
0x2a: {  	s20 =	smul.u32 @p0 $0xAB, s19;
	_ =	sdelay $0x1  }
0x2b: {  	s20 =	sshrl.u32 @p0 s20, $0x9  }
0x2c: {  	s20 =	sand.u32 @p0 $0x7F, s20  }
0x2d: {  	s20 =	smul.u32 @p0 $0x3, s20;
	_ =	sdelay $0x1  }
0x2e: {  	s20 =	ssub.s32 @p0 s19, s20  }
0x2f: {  	s23 =	simm.s32 @p0 $0x0;
	p1 =	slt.u32 @p0 s19, $0x2;
	s20 =	sand.u32 @p0 $0xFF, s20  }
0x30: {  	p1 =	por !p0, !p1;
	s21 =	sshll.u32 @p0 s20, $0x7;
	s24 =	smul.u32 @p0 $0xA000, s20  }
.Ltmp4:
0x31: {  	s22 =	sor.u32 @p0 $0x4, s20;
	s21 =	sadd.s32 @p0 $0x2780, s21;
	(pc) =	sbr.rel @!p1 .LBB2_4-.Ltmp4, $4  }
0x32: {  	[tilespmem:s21], [sflag:s22] =	stream.linear.gather @p0 [hbm4b:s18+s23], $0x80, $0x38;
	[tilespmem:$0x1E180] =	vst v63  }
0x33: {  	s21 =	sshrl.u32 @p0 s24, $0x2  }
0x34: {  	s20 =	sadd.s32 @p0 $0x1, s20;
	s22 =	simm.s32 @p0 $0x50;
	s21 =	sadd.s32 @p0 $0x2980, s21  }
0x35: {  	[tilespmem:s21], [sflag:s20] =	stream.indirect.gather @p0 [hbm4b:s2+s22], $0x80, s17, s22, $0xb8;
	[tilespmem:$0x1E180] =	vst v63  }
0x36: {  	s20 =	smov.u32 s19  }
0x37: {  	s20 =	smov.u32 @p0 s19  }
0x38: {  	s20 =	sadd.s32 $0xFFFFFFFE, s20  }
0x39: {  	s21 =	sand.u32 $0xFF, s20  }
0x3a: {  	s21 =	smul.u32 $0xAB, s21;
	_ =	sdelay $0x1  }
0x3b: {  	s21 =	sshrl.u32 s21, $0x9  }
0x3c: {  	s21 =	smul.u32 $0x3, s21;
	_ =	sdelay $0x1  }
0x3d: {  	s20 =	ssub.s32 s20, s21  }
0x3e: {  	s20 =	sand.u32 $0xFF, s20  }
0x3f: {  	s30 =	sor.u32 $0x4, s20  }
0x40: {  	_ =	swait.ge [sflag:s30], $0x80  }
0x41: {  	[sflag:s30] =	ssyncset.done $0x0  }
0x42: {  	s31 =	sadd.s32 $0x1, s20;
	s22 =	smul.u32 $0xA000, s20;
	[sflag:s30] =	ssyncadd.s32 $0xFFFFFF80  }
0x43: {  	s20 =	sshll.u32 s20, $0x7;
	_ =	swait.ge [sflag:s31], $0x2800  }
0x44: {  	s20 =	sadd.s32 $0x2780, s20;
	s22 =	sshrl.u32 s22, $0x2;
	[sflag:s31] =	ssyncset.done $0x0  }
.Ltmp5:
0x45: {  	s22 =	sadd.s32 $0x2980, s22;
	[sflag:s31] =	ssyncadd.s32 $0xFFFFD800;
	(pc) =	sbr.rel .LBB2_4-.Ltmp5, $4  }
0x46: {  	[spmem:s3] =	stream.indirect.scatter.add.f32 [tilespmem:s22], [sflag:$0x7], $0x80, s20, s15, $0xb8;
	[tilespmem:$0x1E180] =	vst v63  }
0x47: {  	_ =	swait.ge [sflag:s12], $0x2800  }
0x48: {  	[sflag:s12] =	ssyncset.done $0x0  }
0x49: {  	[sflag:s12] =	ssyncadd.s32 $0xFFFFD800  }
.LBB2_6:
0x4a: {  	_ =	sfence.sel $0x180000  }
0x4b: {  	[bflag:$0x0] =	sbarrier.arrive $0xFFFF  }
0x4c: {  	p0 =	sne.s32 s0, $0x0;
	_ =	strace $0x9000004D  }
0x4d: {  	s0 =	sadd.s32 @!p0 $0x100000, s1;
	[bflag:$0x2] =	sbarrier.arrive $0xFFFF  }
0x4e: {  	[sflag:s0] =	ssyncadd.tile.s32 @!p0 $0x1;
	_ =	shalt  }
.Lfunc_end2:
_tile_overlayer_lowered:
.L_overlay_start_2:
0x4f: {  	(tag) =	ssettag $0x2  }
0x50: {  	s0 =	rddreg [dreg:$0x0];
	s2 =	stileid.u32  }
0x51: {  	s1 =	rddreg [dreg:$0x1];
	p0 =	sne.s32 s2, $0x0  }
0x52: {  	s3 =	rddreg [dreg:$0x2];
	[bflag:$0x3] =	sbarrier.arrive $0xFFFF;
	s2 =	simm.s32 @!p0 $0x1C07  }
0x53: {  	[timem:s3], [sflag:s2] =	dma.local @!p0 [hbm:s0], s1  }
0x54: {  	s0 =	simm.s32 @!p0 $0x7  }
0x55: {  	_ =	swait.ge @!p0 [sflag:s0], s1  }
0x56: {  	s1 =	ssub.s32 @!p0 $0x0, s1;
	[sflag:s0] =	ssyncset.done @!p0 $0x0  }
0x57: {  	[sflag:s0] =	ssyncadd.s32 @!p0 s1  }
0x58: {  	[bflag:$0x3] =	sbarrier.arrive $0xFFFF  }
0x59: {  	_ =	shalt  }

// kernel: kernel.8.cloned.1.call-start
scs
__scs_entry_jumppad:
0x0: {  	(pc) =	sbr.rel $0x88, $3  }
0x1: {  	(tag) =	ssettag $0x0;
	lr =	simm.s32 $0x1  }
0x2: {  	[smem:$0x3F9B] =	sst lr;
	_ =	strace $0xD0000000  }
0x3: {  	_ = 	snop  }
0x4: {  	_ = 	snop  }
0x5: {  	_ = 	snop  }
0x6: {  	_ = 	snop  }
0x7: {  	_ = 	snop  }
__scs_overlays_trampoline_lowered:
0x8: {  	[smem:$0x3FAA] =	sst s0  }
0x9: {  	[smem:$0x3FAB] =	sst s1  }
0xa: {  	[smem:$0x3FAC] =	sst s2  }
0xb: {  	[smem:$0x3FAD] =	sst s3  }
0xc: {  	[smem:$0x3FAE] =	sst s4  }
0xd: {  	[smem:$0x3FAF] =	sst s5  }
0xe: {  	[smem:$0x3FB0] =	sst s6  }
0xf: {  	[smem:$0x3FB1] =	sst s7  }
0x10: {  	[smem:$0x3FB2] =	sst s8  }
0x11: {  	[smem:$0x3FB3] =	sst s9;
	s0 =	simm.s32 @!p0 $0x0  }
0x12: {  	s1 =	sld [smem:$0x3F99];
	s0 =	simm.s32 @p0 $0x1  }
0x13: {  	[smem:$0x3FB4] =	sst s0;
	s0 =	simm.s32 @!p1 $0x0  }
0x14: {  	s2 =	sld [smem:$0x3F98];
	s0 =	simm.s32 @p1 $0x1  }
0x15: {  	[smem:$0x3FB5] =	sst s0;
	s0 =	simm.s32 @!p2 $0x0  }
0x16: {  	s3 =	sld [smem:$0x3FDB];
	s0 =	simm.s32 @p2 $0x1  }
0x17: {  	s4 =	simm.s32 $0x1BF5;
	[smem:$0x3FB7] =	sst s0  }
0x18: {  	s0 =	sld [smem:$0x3F9A];
	_ =	swait.ge [sflag:s4], $0x0  }
0x19: {  	s7 =	sld [smem:$0x3F9B]  }
0x1a: {  	s8 =	sadd.s32 $0xFFFFE003, lr  }
0x1b: {  	s9 =	sadd.s32 $0xFFFFFEF7, lr;
	s5 =	simm.s32 $0xFFFFFFFF;
	p2 =	slt.u32 s8, $0xFFFFF086  }
0x1c: {  	p1 =	slt.u32 s9, $0xF7A;
	s5 =	simm.s32 @!p2 $0x0  }
0x1d: {  	s5 =	simm.s32 @p1 $0x1;
	p0 =	seq.s32 s7, s2  }
0x1e: {  	s7 =	smul.u32 @!p0 $0xF7A, s2;
	p2 =	seq.s32 @!p0 s5, $0x0  }
0x1f: {  	s9 =	smul.u32 $0xF7A, s1;
	s8 =	simm.s32 @!p0 $0x1BF5;
	p2 =	por !p2, p0  }
0x20: {  	[sflag:s8] =	ssyncset.s32 @!p0 $0xFFFFF086;
	s6 =	sadd.s32 @!p0 s3, s7;
	s7 =	simm.s32 @!p0 $0x108  }
0x21: {  	s3 =	sadd.s32 s3, s9;
	s6 =	sadd.s32 @!p0 $0x88, s6;
	s7 =	simm.s32 @p2 $0x1082  }
0x22: {  	[simem:s7], [sflag:s8] =	dma.local @!p0 [hbm:s6], $0xF7A  }
0x23: {  	s9 =	sor.u32 $0xD0000000, s2;
	s6 =	simm.s32 $0x108;
	_ =	swait.ge @!p0 [sflag:s8], $0x0  }
0x24: {  	s3 =	sadd.s32 $0x88, s3;
	s6 =	simm.s32 @!p1 $0x1082;
	[sflag:s4] =	ssyncset.s32 $0xFFFFF086  }
0x25: {  	[simem:s6], [sflag:s4] =	dma.local [hbm:s3], $0xF7A  }
0x26: {  	[smem:$0x3F9B] =	sst s1;
	(tag) =	ssettag s2;
	_ =	strace s9  }
0x27: {  	s1 =	sld [smem:$0x3FAB]  }
0x28: {  	s2 =	sld [smem:$0x3FAC]  }
0x29: {  	s4 =	sld [smem:$0x3FAE]  }
0x2a: {  	p0 =	seq.s32 s5, $0x0;
	s5 =	sld [smem:$0x3FAF]  }
0x2b: {  	s6 =	sld [smem:$0x3FB0]  }
0x2c: {  	s7 =	sld [smem:$0x3FB1]  }
0x2d: {  	s3 =	simm.s32 $0x108;
	s8 =	sld [smem:$0x3FB2]  }
0x2e: {  	s3 =	simm.s32 @!p0 $0x1082;
	s9 =	sld [smem:$0x3FB3]  }
0x2f: {  	lr =	sadd.s32 s0, s3;
	s0 =	sld [smem:$0x3FAA]  }
0x30: {  	s3 =	sld [smem:$0x3FAD]  }
0x31: {  	[smem:$0x3FB6] =	sst s10  }
0x32: {  	s10 =	sld [smem:$0x3FB4];
	_ =	sdelay $0x3  }
0x33: {  	p0 =	seq.s32 s10, $0x1;
	s10 =	sld [smem:$0x3FB6];
	_ =	sdelay $0x3  }
0x34: {  	[smem:$0x3FB6] =	sst s10  }
0x35: {  	s10 =	sld [smem:$0x3FB5];
	_ =	sdelay $0x3  }
0x36: {  	p1 =	seq.s32 s10, $0x1;
	s10 =	sld [smem:$0x3FB6];
	_ =	sdelay $0x3  }
0x37: {  	[smem:$0x3FB6] =	sst s10  }
0x38: {  	s10 =	sld [smem:$0x3FB7]  }
0x39: {  	_ = 	snop;
	(pc) =	sbr.ind lr, $3  }
0x3a: {  	_ = 	snop  }
0x3b: {  	_ = 	snop  }
0x3c: {  	p2 =	seq.s32 s10, $0x1;
	s10 =	sld [smem:$0x3FB6]  }
0x3d: {  	_ =	shalt  }
0x3e: {  	_ =	shalt  }
0x3f: {  	_ =	shalt  }
0x40: {  	_ =	shalt  }
0x41: {  	_ =	shalt  }
0x42: {  	_ =	shalt  }
0x43: {  	_ =	shalt  }
0x44: {  	_ =	shalt  }
0x45: {  	_ =	shalt  }
0x46: {  	_ =	shalt  }
0x47: {  	_ =	shalt  }
0x48: {  	_ =	shalt  }
0x49: {  	_ =	shalt  }
0x4a: {  	_ =	shalt  }
0x4b: {  	_ =	shalt  }
0x4c: {  	_ =	shalt  }
0x4d: {  	_ =	shalt  }
0x4e: {  	_ =	shalt  }
0x4f: {  	_ =	shalt  }
0x50: {  	_ =	shalt  }
0x51: {  	_ =	shalt  }
0x52: {  	_ =	shalt  }
0x53: {  	_ =	shalt  }
0x54: {  	_ =	shalt  }
0x55: {  	_ =	shalt  }
0x56: {  	_ =	shalt  }
0x57: {  	_ =	shalt  }
0x58: {  	_ =	shalt  }
0x59: {  	_ =	shalt  }
0x5a: {  	_ =	shalt  }
0x5b: {  	_ =	shalt  }
0x5c: {  	_ =	shalt  }
0x5d: {  	_ =	shalt  }
0x5e: {  	_ =	shalt  }
0x5f: {  	_ =	shalt  }
0x60: {  	_ =	shalt  }
0x61: {  	_ =	shalt  }
0x62: {  	_ =	shalt  }
0x63: {  	_ =	shalt  }
0x64: {  	_ =	shalt  }
0x65: {  	_ =	shalt  }
0x66: {  	_ =	shalt  }
0x67: {  	_ =	shalt  }
0x68: {  	_ =	shalt  }
0x69: {  	_ =	shalt  }
0x6a: {  	_ =	shalt  }
0x6b: {  	_ =	shalt  }
0x6c: {  	_ =	shalt  }
0x6d: {  	_ =	shalt  }
0x6e: {  	_ =	shalt  }
0x6f: {  	_ =	shalt  }
0x70: {  	_ =	shalt  }
0x71: {  	_ =	shalt  }
0x72: {  	_ =	shalt  }
0x73: {  	_ =	shalt  }
0x74: {  	_ =	shalt  }
0x75: {  	_ =	shalt  }
0x76: {  	_ =	shalt  }
0x77: {  	_ =	shalt  }
0x78: {  	_ =	shalt  }
0x79: {  	_ =	shalt  }
0x7a: {  	_ =	shalt  }
0x7b: {  	_ =	shalt  }
0x7c: {  	_ =	shalt  }
0x7d: {  	_ =	shalt  }
0x7e: {  	_ =	shalt  }
0x7f: {  	_ =	shalt  }
0x80: {  	_ =	shalt  }
0x81: {  	_ =	shalt  }
0x82: {  	_ =	shalt  }
0x83: {  	_ =	shalt  }
0x84: {  	_ =	shalt  }
0x85: {  	_ =	shalt  }
0x86: {  	_ =	shalt  }
0x87: {  	_ =	shalt  }
.Lfunc_end0:
.L_simem_size_0:
called_computation_lowered:
.L_overlay_start_0:
0x88: {  	s2 =	sld [smem:$0x3FD9]  }
0x89: {  	s3 =	sld [smem:$0x3FFE];
	_ =	sdelay $0x1  }
0x8a: {  	s1 =	srdreg.scid  }
0x8b: {  	s0 =	sand.u32 $0x1, s1  }
0x8c: {  	s17 =	sshll.u32 s0, $0xA;
	s2 =	sadd.s32 s3, s2  }
0x8d: {  	s2 =	sadd.s32 s2, s17  }
0x8e: {  	[smem:$0x3FC2] =	sst s2  }
0x8f: {  	_ = 	snop  }
0x90: {  	s2 =	sld [smem:$0x3FD0];
	(tm) =	ssettm $0x1  }
0x91: {  	s18 =	sld [smem:$0x3FFB];
	_ =	sdelay $0x3  }
0x92: {  	_ =	strace s18  }
0x93: {  	s3 =	sld [smem:$0x3FFC];
	_ =	sdelay $0x3  }
0x94: {  	_ =	strace s3  }
0x95: {  	s3 =	sld [smem:$0x3FFD];
	_ =	sdelay $0x3  }
0x96: {  	_ =	strace s3  }
0x97: {  	_ =	strace $0x8FFFFFFF  }
0x98: {  	s19 =	sld [smem:$0x3FDB];
	_ =	sdelay $0x1  }
0x99: {  	s4 =	simm.s32 $_scs_section_size  }
0x9a: {  	s5 =	simm.s32 $_size__tile_overlayer_lowered;
	s6 =	simm.s32 $_tile_overlayer_lowered  }
0x9b: {  	s22 =	simm.s32 $0x1BFF;
	s21 =	sshll.u32 s6, $0x1;
	s3 =	sadd.s32 s4, s19  }
0x9c: {  	s7 =	simm.s32 $0x0;
	s20 =	sshll.u32 s5, $0x1;
	s5 =	sadd.s32 s21, s3  }
0x9d: {  	[timem:s7], [sflag:s22] =	dma.local [hbm:s5], s20  }
0x9e: {  	_ =	swait.ge [sflag:s22], s20  }
0x9f: {  	s4 =	ssub.s32 $0x0, s20;
	[sflag:s22] =	ssyncset.done $0x0  }
0xa0: {  	[sflag:s22] =	ssyncadd.s32 s4;
	_ =	sdelay $0x1  }
0xa1: {  	s23 =	simm.s32 $0x1B8B  }
0xa2: {  	_ =	swait.ge [sflag:s23], $0x1  }
0xa3: {  	[sflag:s23] =	ssyncset.done $0x0  }
0xa4: {  	s25 =	simm.s32 $0x1B8E;
	s24 =	sld [smem:$0x3FFE];
	[sflag:s23] =	ssyncadd.s32 $0xFFFFFFFF  }
0xa5: {  	s26 =	simm.s32 $execute0_lowered;
	[smem:$0x3FD2] =	sst s25  }
0xa6: {  	s5 =	sshll.u32 s26, $0x1;
	_ =	strace $0x80000046;
	[dreg:$0x1] =	wrdreg $0xFFFFFFFF  }
0xa7: {  	s28 =	simm.s32 $_size_execute0_lowered;
	s3 =	sadd.s32 s3, s5;
	[dreg:$0x0] =	wrdreg $0x0  }
0xa8: {  	s5 =	sshll.u32 s28, $0x1;
	[dreg:$0x2] =	wrdreg s3  }
0xa9: {  	[dreg:$0x3] =	wrdreg s5  }
0xaa: {  	[dreg:$0x4] =	wrdreg $0xC0  }
0xab: {  	_ =	task [dreg:s7], $0x5FFFF  }
0xac: {  	[dreg:$0x1] =	wrdreg $0xFFFFFFFF  }
0xad: {  	[dreg:$0x0] =	wrdreg $0x60  }
0xae: {  	[dreg:$0x2] =	wrdreg s24  }
0xaf: {  	[dreg:$0x3] =	wrdreg s2  }
0xb0: {  	[dreg:$0x4] =	wrdreg $0x40800  }
0xb1: {  	[dreg:$0x5] =	wrdreg $0x9  }
0xb2: {  	_ =	task.clear_ibuf [dreg:s7], $0x6FFFF;
	_ =	strace $0x90000046  }
0xb3: {  	s29 =	simm.s32 $0x9;
	_ =	strace $0x80000048  }
0xb4: {  	_ =	swait.ge [sflag:s29], $0x1  }
0xb5: {  	[sflag:s29] =	ssyncadd.s32 $0xFFFFFFFF  }
0xb6: {  	_ =	strace $0x90000048  }
0xb7: {  	_ =	sfence  }
0xb8: {  	s30 =	sld [smem:$0x0];
	_ =	sdelay $0x2  }
0xb9: {  	s31 =	sshll.u32 s1, $0xD;
	s1 =	sshrl.u32 s1, $0x2  }
0xba: {  	s3 =	sand.u32 $0x4000, s31;
	s1 =	sadd.s32 s1, s30  }
0xbb: {  	s0 =	sor.u32 s3, s0;
	s1 =	sshll.u32 s1, $0x11  }
0xbc: {  	s0 =	sor.u32 s1, s0  }
0xbd: {  	s0 =	sadd.s32 $0x8F2B, s0  }
0xbe: {  	[sflag:s0] =	ssyncadd.remote.s32 $0x1  }
0xbf: {  	_ =	sfence.sel $0xFFFF  }
0xc0: {  	[dreg:$0x0] =	wrdreg $0xFFFFFFFF;
	(pc) =	sbr.abs _section_cstart, $3  }
0xc1: {  	[dreg:$0x1] =	wrdreg $0xFFFFFFFF  }
0xc2: {  	_ =	task.clear_ibuf [dreg:s7], $0x2FFFF;
	_ =	strace $0x9FFFFFFF  }
0xc3: {  	(tm) =	ssettm $0x7FFFFFFF  }
tec
execute0_lowered:
.L_overlay_start_1:
0x0: {  	(tag) =	ssettag $0x1  }
0x1: {  	s4 =	rddreg [dreg:$0x0]  }
0x2: {  	s7 =	rddreg [dreg:$0x1]  }
0x3: {  	s2 =	rddreg [dreg:$0x2]  }
0x4: {  	s0 =	rddreg [dreg:$0x3];
	s3 =	simm.s32 $0x0;
	s1 =	stileid.u32  }
0x5: {  	s9 =	srdreg.scid;
	s14 =	simm.s32 $0x20;
	s15 =	simm.s32 $0x10  }
0x6: {  	s16 =	simm.s32 $0x0;
	[smem:$0x7FF] =	sst s3;
	s6 =	smul.u32 $0x280, s1  }
0x7: {  	s5 =	sshll.u32 s1, $0xB;
	s9 =	sand.u32 $0x1, s9;
	s11 =	smul.u32 $0x500, s1  }
0x8: {  	s31 =	sshll.u32 s1, $0x6;
	_ =	strace $0x80000047;
	s5 =	sadd.s32 s5, s4  }
0x9: {  	s10 =	ssub.s32 $0x2, s9;
	s13 =	sshll.u32 s9, $0xF;
	s9 =	sshll.u32 s9, $0x7  }
0xa: {  	s8 =	sshrl.u32 s6, $0x3;
	s12 =	sshrl.u32 s10, $0x1;
	s5 =	sadd.s32 s13, s5  }
0xb: {  	s9 =	sor.u32 s9, s11;
	s30 =	sadd.s32 s6, s2;
	s11 =	sor.u32 $0x1C01, s31  }
0xc: {  	s13 =	simm.s32 $0x50;
	s8 =	sadd.s32 s8, s4;
	s4 =	sadd.s32 $0x12000, s4  }
0xd: {  	s10 =	ssub.s32 s10, s12;
	s5 =	sadd.s32 $0x2000, s5;
	s9 =	sshrl.u32 s9, $0x3  }
0xe: {  	s12 =	sshrl.u32 s30, $0x3;
	s6 =	sadd.s32 $0x12200, s8;
	s7 =	sadd.s32 s7, s9  }
0xf: {  	s8 =	smax.u32 s10, $0x1;
	s9 =	simm.s32 $0x1;
	s10 =	simm.s32 $0x4000  }
.LBB2_1:
0x10: {  	[tilespmem:s3], [sflag:$0x1] =	stream.linear.gather [hbm4b:s5+s3], $0x3E80, $0x38;
	[tilespmem:$0x4300] =	vst v63  }
0x11: {  	_ =	swait.ge [sflag:s9], $0x3E80  }
0x12: {  	[sflag:s9] =	ssyncset.done $0x0  }
0x13: {  	[sflag:s9] =	ssyncadd.s32 $0xFFFFC180  }
0x14: {  	[tilespmem:s10], [sflag:$0x1] =	stream.linear.gather [hbm4b:s4+s3], $0x80, $0x38;
	[tilespmem:$0x4300] =	vst v63  }
0x15: {  	_ =	swait.ge [sflag:s9], $0x80  }
0x16: {  	[sflag:s9] =	ssyncset.done $0x0  }
0x17: {  	[sflag:s9] =	ssyncadd.s32 $0xFFFFFF80  }
0x18: {  	[spmem:s12], [sflag:s11] =	dma.local [hbm:s6], $0x50  }
0x19: {  	_ =	swait.ge [sflag:s9], $0x50  }
0x1a: {  	[sflag:s9] =	ssyncset.done $0x0  }
0x1b: {  	[sflag:s9] =	ssyncadd.s32 $0xFFFFFFB0  }
0x1c: {  	s17 =	simm.s32 $0x0;
	[bflag:$0x0] =	sbarrier.arrive $0xFFFF  }
0x1d: {  	[spmem:s2] =	stream.indirect.scatter.add.f32 [tilespmem:s10], [sflag:$0x1], $0x1, s17, s13, $0xb8;
	[tilespmem:$0x4300] =	vst v63  }
0x1e: {  	_ =	swait.ge [sflag:s9], $0x50  }
0x1f: {  	s17 =	simm.s32 $0x200;
	[sflag:s9] =	ssyncset.done $0x0  }
.LBB2_2:
0x20: {  	s18 =	sshra.s32 s17, $0x2;
	[sflag:s9] =	ssyncadd.s32 $0xFFFFFFB0;
	p0 =	sne.s32 s17, $0xF800  }
0x21: {  	[spmem:s2] =	stream.indirect.scatter.add.f32 [tilespmem:s10], [sflag:$0x1], $0x1, s18, s13, $0xb8;
	[tilespmem:$0x4300] =	vst v63  }
.Ltmp0:
0x22: {  	_ = 	snop;
	(pc) =	sbr.rel @p0 .LBB2_2-.Ltmp0, $4  }
0x23: {  	_ = 	snop  }
0x24: {  	s17 =	sadd.s32 $0x200, s17  }
0x25: {  	_ =	swait.ge [sflag:s9], $0x50  }
0x26: {  	[sflag:s9] =	ssyncset.done $0x0  }
0x27: {  	s16 =	sadd.s32 $0x1, s16  }
0x28: {  	[sflag:s9] =	ssyncadd.s32 $0xFFFFFFB0;
	p0 =	sne.s32 s16, s8  }
.Ltmp1:
0x29: {  	[bflag:$0x0] =	sbarrier.arrive $0xFFFF;
	(pc) =	sbr.rel @p0 .LBB2_1-.Ltmp1, $4  }
0x2a: {  	[hbm:s7@s14], [sflag:s11] =	dma.strided [spmem:s12@s15], $0x50, s9, $0x10   }
0x2b: {  	_ =	swait.ge [sflag:s9], $0x50  }
0x2c: {  	[sflag:s9] =	ssyncset.done $0x0  }
0x2d: {  	[sflag:s9] =	ssyncadd.s32 $0xFFFFFFB0  }
0x2e: {  	_ =	sfence.sel $0x180000  }
0x2f: {  	[bflag:$0x0] =	sbarrier.arrive $0xFFFF  }
0x30: {  	p0 =	sne.s32 s1, $0x0;
	_ =	strace $0x90000047  }
0x31: {  	s0 =	sadd.s32 @!p0 $0x100000, s0;
	[bflag:$0x2] =	sbarrier.arrive $0xFFFF  }
0x32: {  	[sflag:s0] =	ssyncadd.tile.s32 @!p0 $0x1;
	_ =	shalt  }
.Lfunc_end2:
_tile_overlayer_lowered:
.L_overlay_start_2:
0x33: {  	(tag) =	ssettag $0x2  }
0x34: {  	s0 =	rddreg [dreg:$0x0];
	s2 =	stileid.u32  }
0x35: {  	s1 =	rddreg [dreg:$0x1];
	p0 =	sne.s32 s2, $0x0  }
0x36: {  	s3 =	rddreg [dreg:$0x2];
	[bflag:$0x3] =	sbarrier.arrive $0xFFFF;
	s2 =	simm.s32 @!p0 $0x1C01  }
0x37: {  	[timem:s3], [sflag:s2] =	dma.local @!p0 [hbm:s0], s1  }
0x38: {  	s0 =	simm.s32 @!p0 $0x1  }
0x39: {  	_ =	swait.ge @!p0 [sflag:s0], s1  }
0x3a: {  	s1 =	ssub.s32 @!p0 $0x0, s1;
	[sflag:s0] =	ssyncset.done @!p0 $0x0  }
0x3b: {  	[sflag:s0] =	ssyncadd.s32 @!p0 s1  }
0x3c: {  	[bflag:$0x3] =	sbarrier.arrive $0xFFFF  }
0x3d: {  	_ =	shalt  }

</sc_bundles>
